<compile_context>
chip_gen: v7x
topology: tpu7x:2x2x1
jax: 0.10.2.dev20260603
libtpu: 0.0.44.dev20260713+nightly
codegen_flags: <defaults>
</compile_context>

<pallas_src>
import functools
import math

import jax
import jax.numpy as jnp
from jax import lax
from jax.experimental import pallas as pl
from jax.experimental.pallas import tpu as pltpu
from jax.experimental.pallas import tpu_sc as plsc

B, Q, D, H, P, FF, HW = 4, 300, 256, 8, 4, 2048, 1024
DH = D // H
GW = int(HW ** 0.5)
NK = P * 4
_NC = 2
_NSUB = 16


def _ln(x, g, b):
    m = x.mean(-1, keepdims=True)
    v = ((x - m) ** 2).mean(-1, keepdims=True)
    return (x - m) / jnp.sqrt(v + 1e-5) * g + b



def _k1_body(tgt_ref, in_wT_ref, in_b_ref, out_wT_ref, out_b_ref,
             ln1g_ref, ln1b_ref, refwT_ref, refb_ref,
             offxT_ref, offbx_ref, offyT_ref, offby_ref,
             attwT_ref, attb_ref,
             x_ref, idx_ref, w_ref):
    t = tgt_ref[0]
    qkv = jnp.dot(t, in_wT_ref[...], preferred_element_type=jnp.float32)
    qkv = qkv + in_b_ref[...]
    q = qkv[:, :D]
    k = qkv[:, D:2 * D]
    v = qkv[:, 2 * D:]
    scale = 1.0 / math.sqrt(DH)
    outs = []
    for h in range(H):
        qh = q[:, h * DH:(h + 1) * DH]
        kh = k[:, h * DH:(h + 1) * DH]
        vh = v[:, h * DH:(h + 1) * DH]
        s = lax.dot_general(qh, kh, (((1,), (1,)), ((), ())),
                            preferred_element_type=jnp.float32) * scale
        p = jax.nn.softmax(s, axis=-1)
        outs.append(jnp.dot(p, vh, preferred_element_type=jnp.float32))
    sa = jnp.concatenate(outs, axis=1)
    sa = jnp.dot(sa, out_wT_ref[...], preferred_element_type=jnp.float32)
    sa = sa + out_b_ref[...]
    x = _ln(t + sa, ln1g_ref[...], ln1b_ref[...])
    x_ref[0] = x

    refxy = jax.nn.sigmoid(
        jnp.dot(x, refwT_ref[...], preferred_element_type=jnp.float32)
        + refb_ref[...])
    rx = refxy[:, 0:1]
    ry = refxy[:, 1:2]
    offx = jnp.dot(x, offxT_ref[...], preferred_element_type=jnp.float32) + offbx_ref[...]
    offy = jnp.dot(x, offyT_ref[...], preferred_element_type=jnp.float32) + offby_ref[...]
    att = jnp.dot(x, attwT_ref[...], preferred_element_type=jnp.float32) + attb_ref[...]
    a = [att[:, p * H:(p + 1) * H] for p in range(P)]
    m = jnp.maximum(jnp.maximum(a[0], a[1]), jnp.maximum(a[2], a[3]))
    e = [jnp.exp(ai - m) for ai in a]
    ssum = e[0] + e[1] + e[2] + e[3]
    wts = jnp.concatenate([ei / ssum for ei in e], axis=1)

    sx = jnp.clip(rx + offx, 0.0, 1.0) * (GW - 1)
    sy = jnp.clip(ry + offy, 0.0, 1.0) * (GW - 1)
    x0 = jnp.clip(jnp.floor(sx), 0.0, GW - 1)
    y0 = jnp.clip(jnp.floor(sy), 0.0, GW - 1)
    x1 = jnp.minimum(x0 + 1.0, GW - 1)
    y1 = jnp.minimum(y0 + 1.0, GW - 1)
    wx1 = sx - x0
    wx0 = 1.0 - wx1
    wy1 = sy - y0
    wy0 = 1.0 - wy1
    xi0 = x0.astype(jnp.int32)
    xi1 = x1.astype(jnp.int32)
    yi0 = y0.astype(jnp.int32)
    yi1 = y1.astype(jnp.int32)
    corners = ((xi0, yi0, wx0 * wy0), (xi0, yi1, wx0 * wy1),
               (xi1, yi0, wx1 * wy0), (xi1, yi1, wx1 * wy1))
    for c, (cx, cy, cw) in enumerate(corners):
        idx_ref[0, c] = cy * GW + cx
        w_ref[0, c] = wts * cw


def _k1_call(tgt, in_wT, in_b, out_wT, out_b, ln1g, ln1b, refwT, refb,
             offxT, offbx, offyT, offby, attwT, attb, interpret=False):
    full = lambda shape: pl.BlockSpec(shape, lambda b: (0,) * len(shape))
    return pl.pallas_call(
        _k1_body,
        grid=(B,),
        in_specs=[
            pl.BlockSpec((1, Q, D), lambda b: (b, 0, 0)),
            full((D, 3 * D)), full((3 * D,)),
            full((D, D)), full((D,)),
            full((D,)), full((D,)),
            full((D, 8)), full((8,)),
            full((D, H * P)), full((H * P,)),
            full((D, H * P)), full((H * P,)),
            full((D, H * P)), full((H * P,)),
        ],
        out_specs=[
            pl.BlockSpec((1, Q, D), lambda b: (b, 0, 0)),
            pl.BlockSpec((1, 4, Q, H * P), lambda b: (b, 0, 0, 0)),
            pl.BlockSpec((1, 4, Q, H * P), lambda b: (b, 0, 0, 0)),
        ],
        out_shape=[
            jax.ShapeDtypeStruct((B, Q, D), jnp.float32),
            jax.ShapeDtypeStruct((B, 4, Q, H * P), jnp.int32),
            jax.ShapeDtypeStruct((B, 4, Q, H * P), jnp.float32),
        ],
        interpret=interpret,
    )(tgt, in_wT, in_b, out_wT, out_b, ln1g, ln1b, refwT, refb,
      offxT, offbx, offyT, offby, attwT, attb)



def _k2_body(mem_ref, val_wT_ref, val_b_ref, tab_ref):
    v = jnp.dot(mem_ref[0], val_wT_ref[...],
                preferred_element_type=jnp.float32) + val_b_ref[...]
    for h in range(H):
        tab_ref[0, h] = v[:, h * DH:(h + 1) * DH]


def _k2_call(memory, val_wT, val_b, interpret=False):
    return pl.pallas_call(
        _k2_body,
        grid=(B,),
        in_specs=[
            pl.BlockSpec((1, HW, D), lambda b: (b, 0, 0)),
            pl.BlockSpec((D, D), lambda b: (0, 0)),
            pl.BlockSpec((D,), lambda b: (0,)),
        ],
        out_specs=pl.BlockSpec((1, H, HW, DH), lambda b: (b, 0, 0, 0)),
        out_shape=jax.ShapeDtypeStruct((B, H, HW, DH), jnp.float32),
        interpret=interpret,
    )(memory, val_wT, val_b)



def _sc_gather(tab, idxf, wf, interpret=False):
    mesh = plsc.VectorSubcoreMesh(core_axis_name="c", subcore_axis_name="s",
                                  num_cores=_NC, num_subcores=_NSUB)

    @functools.partial(
        pl.kernel,
        out_type=jax.ShapeDtypeStruct((B * H, Q * DH), jnp.float32),
        mesh=mesh,
        compiler_params=pltpu.CompilerParams(needs_layout_passes=False,
                                             use_tc_tiling_on_sc=False),
        scratch_types=[
            pltpu.VMEM((HW, DH), jnp.float32),
            pltpu.VMEM((Q * NK,), jnp.int32),
            pltpu.VMEM((Q * NK,), jnp.float32),
            pltpu.VMEM((Q * DH,), jnp.float32),
        ],
        interpret=interpret,
    )
    def run(tab_hbm, idx_hbm, w_hbm, out_hbm, tab_v, idx_v, w_v, out_v):
        wid = lax.axis_index("s") * _NC + lax.axis_index("c")
        pltpu.sync_copy(tab_hbm.at[wid], tab_v)
        pltpu.sync_copy(idx_hbm.at[wid], idx_v)
        pltpu.sync_copy(w_hbm.at[wid], w_v)
        lane = lax.broadcasted_iota(jnp.int32, (16,), 0)
        lane2 = lane + 16

        def body(qi, carry):
            base = qi * NK
            acc0 = jnp.zeros((16,), jnp.float32)
            acc1 = jnp.zeros((16,), jnp.float32)
            for kk in range(NK):
                sel = jnp.full((16,), base + kk, jnp.int32)
                ib = plsc.load_gather(idx_v, [sel])
                wb = plsc.load_gather(w_v, [sel])
                r0 = plsc.load_gather(tab_v, [ib, lane])
                r1 = plsc.load_gather(tab_v, [ib, lane2])
                acc0 = acc0 + wb * r0
                acc1 = acc1 + wb * r1
            ob = qi * DH
            out_v[pl.ds(ob, 16)] = acc0
            out_v[pl.ds(ob + 16, 16)] = acc1
            return carry

        lax.fori_loop(0, Q, body, 0)
        pltpu.sync_copy(out_v, out_hbm.at[wid])

    return run(tab, idxf, wf)



def _k3_body(x_ref, g_ref, cout_wT_ref, cout_b_ref, ln2g_ref, ln2b_ref,
             lin1T_ref, lin1b_ref, lin2T_ref, lin2b_ref, ln3g_ref, ln3b_ref,
             out_ref):
    ca = jnp.dot(g_ref[0], cout_wT_ref[...],
                 preferred_element_type=jnp.float32) + cout_b_ref[...]
    x2 = _ln(x_ref[0] + ca, ln2g_ref[...], ln2b_ref[...])
    h1 = jax.nn.relu(
        jnp.dot(x2, lin1T_ref[...], preferred_element_type=jnp.float32)
        + lin1b_ref[...])
    ff = jnp.dot(h1, lin2T_ref[...],
                 preferred_element_type=jnp.float32) + lin2b_ref[...]
    out_ref[0] = _ln(x2 + ff, ln3g_ref[...], ln3b_ref[...])


def _k3_call(x, g, cout_wT, cout_b, ln2g, ln2b, lin1T, lin1b, lin2T, lin2b,
             ln3g, ln3b, interpret=False):
    full = lambda shape: pl.BlockSpec(shape, lambda b: (0,) * len(shape))
    return pl.pallas_call(
        _k3_body,
        grid=(B,),
        in_specs=[
            pl.BlockSpec((1, Q, D), lambda b: (b, 0, 0)),
            pl.BlockSpec((1, Q, D), lambda b: (b, 0, 0)),
            full((D, D)), full((D,)), full((D,)), full((D,)),
            full((D, FF)), full((FF,)), full((FF, D)), full((D,)),
            full((D,)), full((D,)),
        ],
        out_specs=pl.BlockSpec((1, Q, D), lambda b: (b, 0, 0)),
        out_shape=jax.ShapeDtypeStruct((B, Q, D), jnp.float32),
        interpret=interpret,
    )(x, g, cout_wT, cout_b, ln2g, ln2b, lin1T, lin1b, lin2T, lin2b,
      ln3g, ln3b)



def kernel(tgt, memory, in_proj_w, in_proj_b, out_proj_w, out_proj_b,
           ln1_g, ln1_b, ref_w, ref_b, off_w, off_b, att_w, att_b,
           val_w, val_b, cout_w, cout_b, ln2_g, ln2_b,
           lin1_w, lin1_b, lin2_w, lin2_b, ln3_g, ln3_b):
    perm = jnp.array([(h * P + p) for p in range(P) for h in range(H)],
                     dtype=jnp.int32)
    offxT = off_w[2 * perm].T
    offyT = off_w[2 * perm + 1].T
    offbx = off_b[2 * perm]
    offby = off_b[2 * perm + 1]
    attwT = att_w[perm].T
    attb = att_b[perm]
    refwT = jnp.pad(ref_w.T, ((0, 0), (0, 6)))
    refb8 = jnp.pad(ref_b, (0, 6))

    x, idx4, w4 = _k1_call(
        tgt, in_proj_w.T, in_proj_b, out_proj_w.T, out_proj_b,
        ln1_g, ln1_b, refwT, refb8, offxT, offbx, offyT, offby, attwT, attb)

    tab = _k2_call(memory, val_w.T, val_b)

    r = idx4.reshape(B, 4, Q, P, H).transpose(0, 4, 2, 3, 1)
    idxf = r.reshape(B * H, Q * NK)
    rw = w4.reshape(B, 4, Q, P, H).transpose(0, 4, 2, 3, 1)
    wf = rw.reshape(B * H, Q * NK)

    g = _sc_gather(tab.reshape(B * H, HW, DH), idxf, wf)
    g = g.reshape(B, H, Q, DH).transpose(0, 2, 1, 3).reshape(B, Q, D)

    return _k3_call(x, g, cout_w.T, cout_b, ln2_g, ln2_b,
                    lin1_w.T, lin1_b, lin2_w.T, lin2_b, ln3_g, ln3_b)

# --- scband reference (transcript-rebuilt; emitter-appended) ---
"""Pipeline reference for scband-deformable-decoder-layer-9174050144403 (READ-ONLY COPY).

The authoritative reference and input builder live on the scoring server;
editing this copy changes nothing except your own understanding.
"""

import jax, jax.numpy as jnp
import numpy as np

B, Q, D, H, P, FF, HW = 4, 300, 256, 8, 4, 2048, 1024

def setup_inputs(seed: int = 0):
    key = jax.random.key(seed)
    ks = jax.random.split(key, 14)
    def w(k, shape, s=0.02):
        return jax.random.normal(k, shape, jnp.float32) * s
    return {
        "tgt": jax.random.normal(ks[0], (B, Q, D), jnp.float32),
        "memory": jax.random.normal(ks[1], (B, HW, D), jnp.float32),
        "in_proj_w": w(ks[2], (3 * D, D)), "in_proj_b": jnp.zeros((3 * D,), jnp.float32),
        "out_proj_w": w(ks[3], (D, D)), "out_proj_b": jnp.zeros((D,), jnp.float32),
        "ln1_g": jnp.ones((D,), jnp.float32), "ln1_b": jnp.zeros((D,), jnp.float32),
        "ref_w": w(ks[4], (2, D)), "ref_b": jnp.zeros((2,), jnp.float32),
        "off_w": w(ks[5], (H * P * 2, D)), "off_b": w(ks[6], (H * P * 2,), 0.1),
        "att_w": w(ks[7], (H * P, D)), "att_b": jnp.zeros((H * P,), jnp.float32),
        "val_w": w(ks[8], (D, D)), "val_b": jnp.zeros((D,), jnp.float32),
        "cout_w": w(ks[9], (D, D)), "cout_b": jnp.zeros((D,), jnp.float32),
        "ln2_g": jnp.ones((D,), jnp.float32), "ln2_b": jnp.zeros((D,), jnp.float32),
        "lin1_w": w(ks[10], (FF, D)), "lin1_b": jnp.zeros((FF,), jnp.float32),
        "lin2_w": w(ks[11], (D, FF)), "lin2_b": jnp.zeros((D,), jnp.float32),
        "ln3_g": jnp.ones((D,), jnp.float32), "ln3_b": jnp.zeros((D,), jnp.float32),
    }

def _ln(x, g, b):
    m = x.mean(-1, keepdims=True)
    v = ((x - m) ** 2).mean(-1, keepdims=True)
    return (x - m) / jnp.sqrt(v + 1e-5) * g + b

def reference(tgt, memory, in_proj_w, in_proj_b, out_proj_w, out_proj_b, ln1_g, ln1_b, ref_w, ref_b, off_w, off_b, att_w, att_b, val_w, val_b, cout_w, cout_b, ln2_g, ln2_b, lin1_w, lin1_b, lin2_w, lin2_b, ln3_g, ln3_b):
    Bz, Qn, Dm = tgt.shape
    dh = Dm // H
    qkv = tgt @ in_proj_w.T + in_proj_b
    q, k, v = jnp.split(qkv, 3, axis=-1)
    def heads(t):
        return jnp.transpose(t.reshape(Bz, Qn, H, dh), (0, 2, 1, 3))
    qh, kh, vh = heads(q), heads(k), heads(v)
    att = jax.nn.softmax(qh @ jnp.swapaxes(kh, -1, -2) / jnp.sqrt(jnp.float32(dh)), axis=-1)
    sa = jnp.transpose(att @ vh, (0, 2, 1, 3)).reshape(Bz, Qn, Dm) @ out_proj_w.T + out_proj_b
    x = _ln(tgt + sa, ln1_g, ln1_b)
    ref_pts = jax.nn.sigmoid(x @ ref_w.T + ref_b)
    hw = memory.shape[1]
    h = w = int(hw ** 0.5)
    offs = (x @ off_w.T + off_b).reshape(Bz, Qn, H, P, 2)
    wts = jax.nn.softmax((x @ att_w.T + att_b).reshape(Bz, Qn, H, P), axis=-1)
    vals = (memory @ val_w.T + val_b).reshape(Bz, hw, H, dh)
    loc = jnp.clip(ref_pts[:, :, None, None, :] + offs, 0.0, 1.0)
    sx = loc[..., 0] * (w - 1)
    sy = loc[..., 1] * (h - 1)
    x0f = jnp.floor(sx).astype(jnp.int32)
    y0f = jnp.floor(sy).astype(jnp.int32)
    x0 = jnp.clip(x0f, 0, w - 1); x1 = jnp.clip(x0f + 1, 0, w - 1)
    y0 = jnp.clip(y0f, 0, h - 1); y1 = jnp.clip(y0f + 1, 0, h - 1)
    wx1 = sx - x0.astype(jnp.float32); wx0 = 1.0 - wx1
    wy1 = sy - y0.astype(jnp.float32); wy0 = 1.0 - wy1
    vhs = jnp.transpose(vals, (0, 2, 1, 3))
    def gath(ix, iy):
        idx = iy * w + ix
        it = jnp.transpose(idx, (0, 2, 1, 3)).reshape(Bz, H, Qn * P, 1)
        g = jnp.take_along_axis(vhs, jnp.broadcast_to(it, (Bz, H, Qn * P, dh)), axis=2)
        return jnp.transpose(g.reshape(Bz, H, Qn, P, dh), (0, 2, 1, 3, 4))
    res = gath(x0, y0) * (wx0 * wy0)[..., None] + gath(x0, y1) * (wx0 * wy1)[..., None] + gath(x1, y0) * (wx1 * wy0)[..., None] + gath(x1, y1) * (wx1 * wy1)[..., None]
    ca = jnp.sum(res * wts[..., None], axis=3).reshape(Bz, Qn, Dm) @ cout_w.T + cout_b
    x = _ln(x + ca, ln2_g, ln2_b)
    ff = jax.nn.relu(x @ lin1_w.T + lin1_b) @ lin2_w.T + lin2_b
    x = _ln(x + ff, ln3_g, ln3_b)
    return x

if __name__ == "__main__":
    import jax
    _d = setup_inputs()
    print(jax.jit(kernel)(*tuple(_d.values())))

</pallas_src>

<mosaic_0001>
#map = affine_map<(d0, d1) -> (0, 0, 0)>
#map1 = affine_map<(d0, d1) -> (0, 0)>
module attributes {stable_mosaic.version = 14 : i64} {
  func.func @run(%arg0: i32, %arg1: i32, %arg2: memref<32x1024x32xf32, #tpu.memory_space<hbm>>, %arg3: memref<32x4800xi32, #tpu.memory_space<hbm>>, %arg4: memref<32x4800xf32, #tpu.memory_space<hbm>>, %arg5: memref<32x9600xf32, #tpu.memory_space<hbm>>, %arg6: memref<1024x32xf32, #tpu.memory_space<vmem>>, %arg7: memref<4800xi32, #tpu.memory_space<vmem>>, %arg8: memref<4800xf32, #tpu.memory_space<vmem>>, %arg9: memref<9600xf32, #tpu.memory_space<vmem>>) attributes {dimension_semantics = [#tpu.dimension_semantics<core_parallel>, #tpu.dimension_semantics<subcore_parallel>], iteration_bounds = array<i64: 2, 16>, scalar_prefetch = 0 : i64, scratch_operands = 4 : i64, tpu.core_type = #tpu.core_type<sc_vector_subcore>, window_params = [{transform_indices = #map}, {transform_indices = #map1}, {transform_indices = #map1}, {transform_indices = #map1}]} {
    %mul3A = arith.constant 2 : i32
    %mul3A_0 = arith.muli %arg1, %mul3A : i32
    %add3A = arith.addi %mul3A_0, %arg0 : i32
    "tpu.region"() ({
      %run_scoped3A = tpu.sem_alloc : memref<!tpu.dma_semaphore, #tpu.memory_space<semaphore_mem>>
      %dma_start3A = arith.constant 0 : i32
      %dma_start3A_9 = arith.constant 0 : i32
      %dma_start3A_10 = tpu.memref_slice %arg2[%add3A, %dma_start3A, %dma_start3A_9] : memref<32x1024x32xf32, #tpu.memory_space<hbm>> -> memref<1x1024x32xf32, #tpu.memory_space<hbm>>
      %dma_start3A_11 = tpu.memref_squeeze %dma_start3A_10 : memref<1x1024x32xf32, #tpu.memory_space<hbm>> -> memref<1024x32xf32, #tpu.memory_space<hbm>>
      %dma_start3A_12 = arith.constant 0 : i32
      %dma_start3A_13 = arith.constant 0 : i32
      %dma_start3A_14 = tpu.memref_slice %arg2[%add3A, %dma_start3A_12, %dma_start3A_13] : memref<32x1024x32xf32, #tpu.memory_space<hbm>> -> memref<1x1024x32xf32, #tpu.memory_space<hbm>>
      %dma_start3A_15 = tpu.memref_squeeze %dma_start3A_14 : memref<1x1024x32xf32, #tpu.memory_space<hbm>> -> memref<1024x32xf32, #tpu.memory_space<hbm>>
      tpu.enqueue_dma source(%dma_start3A_15 : memref<1024x32xf32, #tpu.memory_space<hbm>>) target(%arg6 : memref<1024x32xf32, #tpu.memory_space<vmem>>) target_semaphore(%run_scoped3A : memref<!tpu.dma_semaphore, #tpu.memory_space<semaphore_mem>>)
      %dma_wait3A = arith.constant 0 : i32
      %dma_wait3A_16 = arith.constant 0 : i32
      %dma_wait3A_17 = tpu.memref_slice %arg2[%add3A, %dma_wait3A, %dma_wait3A_16] : memref<32x1024x32xf32, #tpu.memory_space<hbm>> -> memref<1x1024x32xf32, #tpu.memory_space<hbm>>
      %dma_wait3A_18 = tpu.memref_squeeze %dma_wait3A_17 : memref<1x1024x32xf32, #tpu.memory_space<hbm>> -> memref<1024x32xf32, #tpu.memory_space<hbm>>
      %dma_wait3A_19 = arith.constant 0 : i32
      %dma_wait3A_20 = arith.constant 0 : i32
      %dma_wait3A_21 = tpu.memref_slice %arg2[%add3A, %dma_wait3A_19, %dma_wait3A_20] : memref<32x1024x32xf32, #tpu.memory_space<hbm>> -> memref<1x1024x32xf32, #tpu.memory_space<hbm>>
      %dma_wait3A_22 = tpu.memref_squeeze %dma_wait3A_21 : memref<1x1024x32xf32, #tpu.memory_space<hbm>> -> memref<1024x32xf32, #tpu.memory_space<hbm>>
      tpu.wait_dma2 semaphore(%run_scoped3A : memref<!tpu.dma_semaphore, #tpu.memory_space<semaphore_mem>>) src(%dma_wait3A_22 : memref<1024x32xf32, #tpu.memory_space<hbm>>) dst(%arg6 : memref<1024x32xf32, #tpu.memory_space<vmem>>)
      tpu.yield
    }) : () -> ()
    "tpu.region"() ({
      %run_scoped3A = tpu.sem_alloc : memref<!tpu.dma_semaphore, #tpu.memory_space<semaphore_mem>>
      %dma_start3A = arith.constant 0 : i32
      %dma_start3A_9 = tpu.memref_slice %arg3[%add3A, %dma_start3A] : memref<32x4800xi32, #tpu.memory_space<hbm>> -> memref<1x4800xi32, #tpu.memory_space<hbm>>
      %dma_start3A_10 = tpu.memref_squeeze %dma_start3A_9 : memref<1x4800xi32, #tpu.memory_space<hbm>> -> memref<4800xi32, #tpu.memory_space<hbm>>
      %dma_start3A_11 = arith.constant 0 : i32
      %dma_start3A_12 = tpu.memref_slice %arg3[%add3A, %dma_start3A_11] : memref<32x4800xi32, #tpu.memory_space<hbm>> -> memref<1x4800xi32, #tpu.memory_space<hbm>>
      %dma_start3A_13 = tpu.memref_squeeze %dma_start3A_12 : memref<1x4800xi32, #tpu.memory_space<hbm>> -> memref<4800xi32, #tpu.memory_space<hbm>>
      tpu.enqueue_dma source(%dma_start3A_13 : memref<4800xi32, #tpu.memory_space<hbm>>) target(%arg7 : memref<4800xi32, #tpu.memory_space<vmem>>) target_semaphore(%run_scoped3A : memref<!tpu.dma_semaphore, #tpu.memory_space<semaphore_mem>>)
      %dma_wait3A = arith.constant 0 : i32
      %dma_wait3A_14 = tpu.memref_slice %arg3[%add3A, %dma_wait3A] : memref<32x4800xi32, #tpu.memory_space<hbm>> -> memref<1x4800xi32, #tpu.memory_space<hbm>>
      %dma_wait3A_15 = tpu.memref_squeeze %dma_wait3A_14 : memref<1x4800xi32, #tpu.memory_space<hbm>> -> memref<4800xi32, #tpu.memory_space<hbm>>
      %dma_wait3A_16 = arith.constant 0 : i32
      %dma_wait3A_17 = tpu.memref_slice %arg3[%add3A, %dma_wait3A_16] : memref<32x4800xi32, #tpu.memory_space<hbm>> -> memref<1x4800xi32, #tpu.memory_space<hbm>>
      %dma_wait3A_18 = tpu.memref_squeeze %dma_wait3A_17 : memref<1x4800xi32, #tpu.memory_space<hbm>> -> memref<4800xi32, #tpu.memory_space<hbm>>
      tpu.wait_dma2 semaphore(%run_scoped3A : memref<!tpu.dma_semaphore, #tpu.memory_space<semaphore_mem>>) src(%dma_wait3A_18 : memref<4800xi32, #tpu.memory_space<hbm>>) dst(%arg7 : memref<4800xi32, #tpu.memory_space<vmem>>)
      tpu.yield
    }) : () -> ()
    "tpu.region"() ({
      %run_scoped3A = tpu.sem_alloc : memref<!tpu.dma_semaphore, #tpu.memory_space<semaphore_mem>>
      %dma_start3A = arith.constant 0 : i32
      %dma_start3A_9 = tpu.memref_slice %arg4[%add3A, %dma_start3A] : memref<32x4800xf32, #tpu.memory_space<hbm>> -> memref<1x4800xf32, #tpu.memory_space<hbm>>
      %dma_start3A_10 = tpu.memref_squeeze %dma_start3A_9 : memref<1x4800xf32, #tpu.memory_space<hbm>> -> memref<4800xf32, #tpu.memory_space<hbm>>
      %dma_start3A_11 = arith.constant 0 : i32
      %dma_start3A_12 = tpu.memref_slice %arg4[%add3A, %dma_start3A_11] : memref<32x4800xf32, #tpu.memory_space<hbm>> -> memref<1x4800xf32, #tpu.memory_space<hbm>>
      %dma_start3A_13 = tpu.memref_squeeze %dma_start3A_12 : memref<1x4800xf32, #tpu.memory_space<hbm>> -> memref<4800xf32, #tpu.memory_space<hbm>>
      tpu.enqueue_dma source(%dma_start3A_13 : memref<4800xf32, #tpu.memory_space<hbm>>) target(%arg8 : memref<4800xf32, #tpu.memory_space<vmem>>) target_semaphore(%run_scoped3A : memref<!tpu.dma_semaphore, #tpu.memory_space<semaphore_mem>>)
      %dma_wait3A = arith.constant 0 : i32
      %dma_wait3A_14 = tpu.memref_slice %arg4[%add3A, %dma_wait3A] : memref<32x4800xf32, #tpu.memory_space<hbm>> -> memref<1x4800xf32, #tpu.memory_space<hbm>>
      %dma_wait3A_15 = tpu.memref_squeeze %dma_wait3A_14 : memref<1x4800xf32, #tpu.memory_space<hbm>> -> memref<4800xf32, #tpu.memory_space<hbm>>
      %dma_wait3A_16 = arith.constant 0 : i32
      %dma_wait3A_17 = tpu.memref_slice %arg4[%add3A, %dma_wait3A_16] : memref<32x4800xf32, #tpu.memory_space<hbm>> -> memref<1x4800xf32, #tpu.memory_space<hbm>>
      %dma_wait3A_18 = tpu.memref_squeeze %dma_wait3A_17 : memref<1x4800xf32, #tpu.memory_space<hbm>> -> memref<4800xf32, #tpu.memory_space<hbm>>
      tpu.wait_dma2 semaphore(%run_scoped3A : memref<!tpu.dma_semaphore, #tpu.memory_space<semaphore_mem>>) src(%dma_wait3A_18 : memref<4800xf32, #tpu.memory_space<hbm>>) dst(%arg8 : memref<4800xf32, #tpu.memory_space<vmem>>)
      tpu.yield
    }) : () -> ()
    %iota3A = tpu.iota {dimensions = array<i32: 0>} : vector<16xi32>
    %add3A_1 = arith.constant 16 : i32
    %add3A_2 = vector.broadcast %add3A_1 : i32 to vector<16xi32>
    %add3A_3 = arith.addi %iota3A, %add3A_2 : vector<16xi32>
    %scan3A = arith.constant 0 : i32
    %scan3A_4 = arith.constant 0 : i32
    %scan3A_5 = arith.constant 300 : i32
    %scan3A_6 = arith.addi %scan3A_4, %scan3A_5 : i32
    %scan3A_7 = arith.constant 1 : i32
    scf.for %scan3A_9 = %scan3A_4 to %scan3A_6 step %scan3A_7  : i32 {
      %mul3A_10 = arith.constant 16 : i32
      %mul3A_11 = arith.muli %scan3A_9, %mul3A_10 : i32
      %broadcast_in_dim3A = arith.constant 0.000000e+00 : f32
      %broadcast_in_dim3A_12 = vector.broadcast %broadcast_in_dim3A : f32 to vector<16xf32>
      %broadcast_in_dim3A_13 = arith.constant 0.000000e+00 : f32
      %broadcast_in_dim3A_14 = vector.broadcast %broadcast_in_dim3A_13 : f32 to vector<16xf32>
      %add3A_15 = arith.constant 0 : i32
      %add3A_16 = arith.addi %mul3A_11, %add3A_15 : i32
      %broadcast_in_dim3A_17 = vector.broadcast %add3A_16 : i32 to vector<16xi32>
      %gather3A = tpu.vector_load_idx %arg7[%broadcast_in_dim3A_17] : memref<4800xi32, #tpu.memory_space<vmem>>[vector<16xi32>], vector<16xi32>,
      %gather3A_18 = tpu.vector_load_idx %arg8[%broadcast_in_dim3A_17] : memref<4800xf32, #tpu.memory_space<vmem>>[vector<16xi32>], vector<16xf32>,
      %gather3A_19 = tpu.vector_load_idx %arg6[%gather3A, %iota3A] : memref<1024x32xf32, #tpu.memory_space<vmem>>[vector<16xi32>, vector<16xi32>], vector<16xf32>,
      %gather3A_20 = tpu.vector_load_idx %arg6[%gather3A, %add3A_3] : memref<1024x32xf32, #tpu.memory_space<vmem>>[vector<16xi32>, vector<16xi32>], vector<16xf32>,
      %mul3A_21 = arith.mulf %gather3A_18, %gather3A_19 : vector<16xf32>
      %add3A_22 = arith.addf %broadcast_in_dim3A_12, %mul3A_21 : vector<16xf32>
      %mul3A_23 = arith.mulf %gather3A_18, %gather3A_20 : vector<16xf32>
      %add3A_24 = arith.addf %broadcast_in_dim3A_14, %mul3A_23 : vector<16xf32>
      %add3A_25 = arith.constant 1 : i32
      %add3A_26 = arith.addi %mul3A_11, %add3A_25 : i32
      %broadcast_in_dim3A_27 = vector.broadcast %add3A_26 : i32 to vector<16xi32>
      %gather3A_28 = tpu.vector_load_idx %arg7[%broadcast_in_dim3A_27] : memref<4800xi32, #tpu.memory_space<vmem>>[vector<16xi32>], vector<16xi32>,
      %gather3A_29 = tpu.vector_load_idx %arg8[%broadcast_in_dim3A_27] : memref<4800xf32, #tpu.memory_space<vmem>>[vector<16xi32>], vector<16xf32>,
      %gather3A_30 = tpu.vector_load_idx %arg6[%gather3A_28, %iota3A] : memref<1024x32xf32, #tpu.memory_space<vmem>>[vector<16xi32>, vector<16xi32>], vector<16xf32>,
      %gather3A_31 = tpu.vector_load_idx %arg6[%gather3A_28, %add3A_3] : memref<1024x32xf32, #tpu.memory_space<vmem>>[vector<16xi32>, vector<16xi32>], vector<16xf32>,
      %mul3A_32 = arith.mulf %gather3A_29, %gather3A_30 : vector<16xf32>
      %add3A_33 = arith.addf %add3A_22, %mul3A_32 : vector<16xf32>
      %mul3A_34 = arith.mulf %gather3A_29, %gather3A_31 : vector<16xf32>
      %add3A_35 = arith.addf %add3A_24, %mul3A_34 : vector<16xf32>
      %add3A_36 = arith.constant 2 : i32
      %add3A_37 = arith.addi %mul3A_11, %add3A_36 : i32
      %broadcast_in_dim3A_38 = vector.broadcast %add3A_37 : i32 to vector<16xi32>
      %gather3A_39 = tpu.vector_load_idx %arg7[%broadcast_in_dim3A_38] : memref<4800xi32, #tpu.memory_space<vmem>>[vector<16xi32>], vector<16xi32>,
      %gather3A_40 = tpu.vector_load_idx %arg8[%broadcast_in_dim3A_38] : memref<4800xf32, #tpu.memory_space<vmem>>[vector<16xi32>], vector<16xf32>,
      %gather3A_41 = tpu.vector_load_idx %arg6[%gather3A_39, %iota3A] : memref<1024x32xf32, #tpu.memory_space<vmem>>[vector<16xi32>, vector<16xi32>], vector<16xf32>,
      %gather3A_42 = tpu.vector_load_idx %arg6[%gather3A_39, %add3A_3] : memref<1024x32xf32, #tpu.memory_space<vmem>>[vector<16xi32>, vector<16xi32>], vector<16xf32>,
      %mul3A_43 = arith.mulf %gather3A_40, %gather3A_41 : vector<16xf32>
      %add3A_44 = arith.addf %add3A_33, %mul3A_43 : vector<16xf32>
      %mul3A_45 = arith.mulf %gather3A_40, %gather3A_42 : vector<16xf32>
      %add3A_46 = arith.addf %add3A_35, %mul3A_45 : vector<16xf32>
      %add3A_47 = arith.constant 3 : i32
      %add3A_48 = arith.addi %mul3A_11, %add3A_47 : i32
      %broadcast_in_dim3A_49 = vector.broadcast %add3A_48 : i32 to vector<16xi32>
      %gather3A_50 = tpu.vector_load_idx %arg7[%broadcast_in_dim3A_49] : memref<4800xi32, #tpu.memory_space<vmem>>[vector<16xi32>], vector<16xi32>,
      %gather3A_51 = tpu.vector_load_idx %arg8[%broadcast_in_dim3A_49] : memref<4800xf32, #tpu.memory_space<vmem>>[vector<16xi32>], vector<16xf32>,
      %gather3A_52 = tpu.vector_load_idx %arg6[%gather3A_50, %iota3A] : memref<1024x32xf32, #tpu.memory_space<vmem>>[vector<16xi32>, vector<16xi32>], vector<16xf32>,
      %gather3A_53 = tpu.vector_load_idx %arg6[%gather3A_50, %add3A_3] : memref<1024x32xf32, #tpu.memory_space<vmem>>[vector<16xi32>, vector<16xi32>], vector<16xf32>,
      %mul3A_54 = arith.mulf %gather3A_51, %gather3A_52 : vector<16xf32>
      %add3A_55 = arith.addf %add3A_44, %mul3A_54 : vector<16xf32>
      %mul3A_56 = arith.mulf %gather3A_51, %gather3A_53 : vector<16xf32>
      %add3A_57 = arith.addf %add3A_46, %mul3A_56 : vector<16xf32>
      %add3A_58 = arith.constant 4 : i32
      %add3A_59 = arith.addi %mul3A_11, %add3A_58 : i32
      %broadcast_in_dim3A_60 = vector.broadcast %add3A_59 : i32 to vector<16xi32>
      %gather3A_61 = tpu.vector_load_idx %arg7[%broadcast_in_dim3A_60] : memref<4800xi32, #tpu.memory_space<vmem>>[vector<16xi32>], vector<16xi32>,
      %gather3A_62 = tpu.vector_load_idx %arg8[%broadcast_in_dim3A_60] : memref<4800xf32, #tpu.memory_space<vmem>>[vector<16xi32>], vector<16xf32>,
      %gather3A_63 = tpu.vector_load_idx %arg6[%gather3A_61, %iota3A] : memref<1024x32xf32, #tpu.memory_space<vmem>>[vector<16xi32>, vector<16xi32>], vector<16xf32>,
      %gather3A_64 = tpu.vector_load_idx %arg6[%gather3A_61, %add3A_3] : memref<1024x32xf32, #tpu.memory_space<vmem>>[vector<16xi32>, vector<16xi32>], vector<16xf32>,
      %mul3A_65 = arith.mulf %gather3A_62, %gather3A_63 : vector<16xf32>
      %add3A_66 = arith.addf %add3A_55, %mul3A_65 : vector<16xf32>
      %mul3A_67 = arith.mulf %gather3A_62, %gather3A_64 : vector<16xf32>
      %add3A_68 = arith.addf %add3A_57, %mul3A_67 : vector<16xf32>
      %add3A_69 = arith.constant 5 : i32
      %add3A_70 = arith.addi %mul3A_11, %add3A_69 : i32
      %broadcast_in_dim3A_71 = vector.broadcast %add3A_70 : i32 to vector<16xi32>
      %gather3A_72 = tpu.vector_load_idx %arg7[%broadcast_in_dim3A_71] : memref<4800xi32, #tpu.memory_space<vmem>>[vector<16xi32>], vector<16xi32>,
      %gather3A_73 = tpu.vector_load_idx %arg8[%broadcast_in_dim3A_71] : memref<4800xf32, #tpu.memory_space<vmem>>[vector<16xi32>], vector<16xf32>,
      %gather3A_74 = tpu.vector_load_idx %arg6[%gather3A_72, %iota3A] : memref<1024x32xf32, #tpu.memory_space<vmem>>[vector<16xi32>, vector<16xi32>], vector<16xf32>,
      %gather3A_75 = tpu.vector_load_idx %arg6[%gather3A_72, %add3A_3] : memref<1024x32xf32, #tpu.memory_space<vmem>>[vector<16xi32>, vector<16xi32>], vector<16xf32>,
      %mul3A_76 = arith.mulf %gather3A_73, %gather3A_74 : vector<16xf32>
      %add3A_77 = arith.addf %add3A_66, %mul3A_76 : vector<16xf32>
      %mul3A_78 = arith.mulf %gather3A_73, %gather3A_75 : vector<16xf32>
      %add3A_79 = arith.addf %add3A_68, %mul3A_78 : vector<16xf32>
      %add3A_80 = arith.constant 6 : i32
      %add3A_81 = arith.addi %mul3A_11, %add3A_80 : i32
      %broadcast_in_dim3A_82 = vector.broadcast %add3A_81 : i32 to vector<16xi32>
      %gather3A_83 = tpu.vector_load_idx %arg7[%broadcast_in_dim3A_82] : memref<4800xi32, #tpu.memory_space<vmem>>[vector<16xi32>], vector<16xi32>,
      %gather3A_84 = tpu.vector_load_idx %arg8[%broadcast_in_dim3A_82] : memref<4800xf32, #tpu.memory_space<vmem>>[vector<16xi32>], vector<16xf32>,
      %gather3A_85 = tpu.vector_load_idx %arg6[%gather3A_83, %iota3A] : memref<1024x32xf32, #tpu.memory_space<vmem>>[vector<16xi32>, vector<16xi32>], vector<16xf32>,
      %gather3A_86 = tpu.vector_load_idx %arg6[%gather3A_83, %add3A_3] : memref<1024x32xf32, #tpu.memory_space<vmem>>[vector<16xi32>, vector<16xi32>], vector<16xf32>,
      %mul3A_87 = arith.mulf %gather3A_84, %gather3A_85 : vector<16xf32>
      %add3A_88 = arith.addf %add3A_77, %mul3A_87 : vector<16xf32>
      %mul3A_89 = arith.mulf %gather3A_84, %gather3A_86 : vector<16xf32>
      %add3A_90 = arith.addf %add3A_79, %mul3A_89 : vector<16xf32>
      %add3A_91 = arith.constant 7 : i32
      %add3A_92 = arith.addi %mul3A_11, %add3A_91 : i32
      %broadcast_in_dim3A_93 = vector.broadcast %add3A_92 : i32 to vector<16xi32>
      %gather3A_94 = tpu.vector_load_idx %arg7[%broadcast_in_dim3A_93] : memref<4800xi32, #tpu.memory_space<vmem>>[vector<16xi32>], vector<16xi32>,
      %gather3A_95 = tpu.vector_load_idx %arg8[%broadcast_in_dim3A_93] : memref<4800xf32, #tpu.memory_space<vmem>>[vector<16xi32>], vector<16xf32>,
      %gather3A_96 = tpu.vector_load_idx %arg6[%gather3A_94, %iota3A] : memref<1024x32xf32, #tpu.memory_space<vmem>>[vector<16xi32>, vector<16xi32>], vector<16xf32>,
      %gather3A_97 = tpu.vector_load_idx %arg6[%gather3A_94, %add3A_3] : memref<1024x32xf32, #tpu.memory_space<vmem>>[vector<16xi32>, vector<16xi32>], vector<16xf32>,
      %mul3A_98 = arith.mulf %gather3A_95, %gather3A_96 : vector<16xf32>
      %add3A_99 = arith.addf %add3A_88, %mul3A_98 : vector<16xf32>
      %mul3A_100 = arith.mulf %gather3A_95, %gather3A_97 : vector<16xf32>
      %add3A_101 = arith.addf %add3A_90, %mul3A_100 : vector<16xf32>
      %add3A_102 = arith.constant 8 : i32
      %add3A_103 = arith.addi %mul3A_11, %add3A_102 : i32
      %broadcast_in_dim3A_104 = vector.broadcast %add3A_103 : i32 to vector<16xi32>
      %gather3A_105 = tpu.vector_load_idx %arg7[%broadcast_in_dim3A_104] : memref<4800xi32, #tpu.memory_space<vmem>>[vector<16xi32>], vector<16xi32>,
      %gather3A_106 = tpu.vector_load_idx %arg8[%broadcast_in_dim3A_104] : memref<4800xf32, #tpu.memory_space<vmem>>[vector<16xi32>], vector<16xf32>,
      %gather3A_107 = tpu.vector_load_idx %arg6[%gather3A_105, %iota3A] : memref<1024x32xf32, #tpu.memory_space<vmem>>[vector<16xi32>, vector<16xi32>], vector<16xf32>,
      %gather3A_108 = tpu.vector_load_idx %arg6[%gather3A_105, %add3A_3] : memref<1024x32xf32, #tpu.memory_space<vmem>>[vector<16xi32>, vector<16xi32>], vector<16xf32>,
      %mul3A_109 = arith.mulf %gather3A_106, %gather3A_107 : vector<16xf32>
      %add3A_110 = arith.addf %add3A_99, %mul3A_109 : vector<16xf32>
      %mul3A_111 = arith.mulf %gather3A_106, %gather3A_108 : vector<16xf32>
      %add3A_112 = arith.addf %add3A_101, %mul3A_111 : vector<16xf32>
      %add3A_113 = arith.constant 9 : i32
      %add3A_114 = arith.addi %mul3A_11, %add3A_113 : i32
      %broadcast_in_dim3A_115 = vector.broadcast %add3A_114 : i32 to vector<16xi32>
      %gather3A_116 = tpu.vector_load_idx %arg7[%broadcast_in_dim3A_115] : memref<4800xi32, #tpu.memory_space<vmem>>[vector<16xi32>], vector<16xi32>,
      %gather3A_117 = tpu.vector_load_idx %arg8[%broadcast_in_dim3A_115] : memref<4800xf32, #tpu.memory_space<vmem>>[vector<16xi32>], vector<16xf32>,
      %gather3A_118 = tpu.vector_load_idx %arg6[%gather3A_116, %iota3A] : memref<1024x32xf32, #tpu.memory_space<vmem>>[vector<16xi32>, vector<16xi32>], vector<16xf32>,
      %gather3A_119 = tpu.vector_load_idx %arg6[%gather3A_116, %add3A_3] : memref<1024x32xf32, #tpu.memory_space<vmem>>[vector<16xi32>, vector<16xi32>], vector<16xf32>,
      %mul3A_120 = arith.mulf %gather3A_117, %gather3A_118 : vector<16xf32>
      %add3A_121 = arith.addf %add3A_110, %mul3A_120 : vector<16xf32>
      %mul3A_122 = arith.mulf %gather3A_117, %gather3A_119 : vector<16xf32>
      %add3A_123 = arith.addf %add3A_112, %mul3A_122 : vector<16xf32>
      %add3A_124 = arith.constant 10 : i32
      %add3A_125 = arith.addi %mul3A_11, %add3A_124 : i32
      %broadcast_in_dim3A_126 = vector.broadcast %add3A_125 : i32 to vector<16xi32>
      %gather3A_127 = tpu.vector_load_idx %arg7[%broadcast_in_dim3A_126] : memref<4800xi32, #tpu.memory_space<vmem>>[vector<16xi32>], vector<16xi32>,
      %gather3A_128 = tpu.vector_load_idx %arg8[%broadcast_in_dim3A_126] : memref<4800xf32, #tpu.memory_space<vmem>>[vector<16xi32>], vector<16xf32>,
      %gather3A_129 = tpu.vector_load_idx %arg6[%gather3A_127, %iota3A] : memref<1024x32xf32, #tpu.memory_space<vmem>>[vector<16xi32>, vector<16xi32>], vector<16xf32>,
      %gather3A_130 = tpu.vector_load_idx %arg6[%gather3A_127, %add3A_3] : memref<1024x32xf32, #tpu.memory_space<vmem>>[vector<16xi32>, vector<16xi32>], vector<16xf32>,
      %mul3A_131 = arith.mulf %gather3A_128, %gather3A_129 : vector<16xf32>
      %add3A_132 = arith.addf %add3A_121, %mul3A_131 : vector<16xf32>
      %mul3A_133 = arith.mulf %gather3A_128, %gather3A_130 : vector<16xf32>
      %add3A_134 = arith.addf %add3A_123, %mul3A_133 : vector<16xf32>
      %add3A_135 = arith.constant 11 : i32
      %add3A_136 = arith.addi %mul3A_11, %add3A_135 : i32
      %broadcast_in_dim3A_137 = vector.broadcast %add3A_136 : i32 to vector<16xi32>
      %gather3A_138 = tpu.vector_load_idx %arg7[%broadcast_in_dim3A_137] : memref<4800xi32, #tpu.memory_space<vmem>>[vector<16xi32>], vector<16xi32>,
      %gather3A_139 = tpu.vector_load_idx %arg8[%broadcast_in_dim3A_137] : memref<4800xf32, #tpu.memory_space<vmem>>[vector<16xi32>], vector<16xf32>,
      %gather3A_140 = tpu.vector_load_idx %arg6[%gather3A_138, %iota3A] : memref<1024x32xf32, #tpu.memory_space<vmem>>[vector<16xi32>, vector<16xi32>], vector<16xf32>,
      %gather3A_141 = tpu.vector_load_idx %arg6[%gather3A_138, %add3A_3] : memref<1024x32xf32, #tpu.memory_space<vmem>>[vector<16xi32>, vector<16xi32>], vector<16xf32>,
      %mul3A_142 = arith.mulf %gather3A_139, %gather3A_140 : vector<16xf32>
      %add3A_143 = arith.addf %add3A_132, %mul3A_142 : vector<16xf32>
      %mul3A_144 = arith.mulf %gather3A_139, %gather3A_141 : vector<16xf32>
      %add3A_145 = arith.addf %add3A_134, %mul3A_144 : vector<16xf32>
      %add3A_146 = arith.constant 12 : i32
      %add3A_147 = arith.addi %mul3A_11, %add3A_146 : i32
      %broadcast_in_dim3A_148 = vector.broadcast %add3A_147 : i32 to vector<16xi32>
      %gather3A_149 = tpu.vector_load_idx %arg7[%broadcast_in_dim3A_148] : memref<4800xi32, #tpu.memory_space<vmem>>[vector<16xi32>], vector<16xi32>,
      %gather3A_150 = tpu.vector_load_idx %arg8[%broadcast_in_dim3A_148] : memref<4800xf32, #tpu.memory_space<vmem>>[vector<16xi32>], vector<16xf32>,
      %gather3A_151 = tpu.vector_load_idx %arg6[%gather3A_149, %iota3A] : memref<1024x32xf32, #tpu.memory_space<vmem>>[vector<16xi32>, vector<16xi32>], vector<16xf32>,
      %gather3A_152 = tpu.vector_load_idx %arg6[%gather3A_149, %add3A_3] : memref<1024x32xf32, #tpu.memory_space<vmem>>[vector<16xi32>, vector<16xi32>], vector<16xf32>,
      %mul3A_153 = arith.mulf %gather3A_150, %gather3A_151 : vector<16xf32>
      %add3A_154 = arith.addf %add3A_143, %mul3A_153 : vector<16xf32>
      %mul3A_155 = arith.mulf %gather3A_150, %gather3A_152 : vector<16xf32>
      %add3A_156 = arith.addf %add3A_145, %mul3A_155 : vector<16xf32>
      %add3A_157 = arith.constant 13 : i32
      %add3A_158 = arith.addi %mul3A_11, %add3A_157 : i32
      %broadcast_in_dim3A_159 = vector.broadcast %add3A_158 : i32 to vector<16xi32>
      %gather3A_160 = tpu.vector_load_idx %arg7[%broadcast_in_dim3A_159] : memref<4800xi32, #tpu.memory_space<vmem>>[vector<16xi32>], vector<16xi32>,
      %gather3A_161 = tpu.vector_load_idx %arg8[%broadcast_in_dim3A_159] : memref<4800xf32, #tpu.memory_space<vmem>>[vector<16xi32>], vector<16xf32>,
      %gather3A_162 = tpu.vector_load_idx %arg6[%gather3A_160, %iota3A] : memref<1024x32xf32, #tpu.memory_space<vmem>>[vector<16xi32>, vector<16xi32>], vector<16xf32>,
      %gather3A_163 = tpu.vector_load_idx %arg6[%gather3A_160, %add3A_3] : memref<1024x32xf32, #tpu.memory_space<vmem>>[vector<16xi32>, vector<16xi32>], vector<16xf32>,
      %mul3A_164 = arith.mulf %gather3A_161, %gather3A_162 : vector<16xf32>
      %add3A_165 = arith.addf %add3A_154, %mul3A_164 : vector<16xf32>
      %mul3A_166 = arith.mulf %gather3A_161, %gather3A_163 : vector<16xf32>
      %add3A_167 = arith.addf %add3A_156, %mul3A_166 : vector<16xf32>
      %add3A_168 = arith.constant 14 : i32
      %add3A_169 = arith.addi %mul3A_11, %add3A_168 : i32
      %broadcast_in_dim3A_170 = vector.broadcast %add3A_169 : i32 to vector<16xi32>
      %gather3A_171 = tpu.vector_load_idx %arg7[%broadcast_in_dim3A_170] : memref<4800xi32, #tpu.memory_space<vmem>>[vector<16xi32>], vector<16xi32>,
      %gather3A_172 = tpu.vector_load_idx %arg8[%broadcast_in_dim3A_170] : memref<4800xf32, #tpu.memory_space<vmem>>[vector<16xi32>], vector<16xf32>,
      %gather3A_173 = tpu.vector_load_idx %arg6[%gather3A_171, %iota3A] : memref<1024x32xf32, #tpu.memory_space<vmem>>[vector<16xi32>, vector<16xi32>], vector<16xf32>,
      %gather3A_174 = tpu.vector_load_idx %arg6[%gather3A_171, %add3A_3] : memref<1024x32xf32, #tpu.memory_space<vmem>>[vector<16xi32>, vector<16xi32>], vector<16xf32>,
      %mul3A_175 = arith.mulf %gather3A_172, %gather3A_173 : vector<16xf32>
      %add3A_176 = arith.addf %add3A_165, %mul3A_175 : vector<16xf32>
      %mul3A_177 = arith.mulf %gather3A_172, %gather3A_174 : vector<16xf32>
      %add3A_178 = arith.addf %add3A_167, %mul3A_177 : vector<16xf32>
      %add3A_179 = arith.constant 15 : i32
      %add3A_180 = arith.addi %mul3A_11, %add3A_179 : i32
      %broadcast_in_dim3A_181 = vector.broadcast %add3A_180 : i32 to vector<16xi32>
      %gather3A_182 = tpu.vector_load_idx %arg7[%broadcast_in_dim3A_181] : memref<4800xi32, #tpu.memory_space<vmem>>[vector<16xi32>], vector<16xi32>,
      %gather3A_183 = tpu.vector_load_idx %arg8[%broadcast_in_dim3A_181] : memref<4800xf32, #tpu.memory_space<vmem>>[vector<16xi32>], vector<16xf32>,
      %gather3A_184 = tpu.vector_load_idx %arg6[%gather3A_182, %iota3A] : memref<1024x32xf32, #tpu.memory_space<vmem>>[vector<16xi32>, vector<16xi32>], vector<16xf32>,
      %gather3A_185 = tpu.vector_load_idx %arg6[%gather3A_182, %add3A_3] : memref<1024x32xf32, #tpu.memory_space<vmem>>[vector<16xi32>, vector<16xi32>], vector<16xf32>,
      %mul3A_186 = arith.mulf %gather3A_183, %gather3A_184 : vector<16xf32>
      %add3A_187 = arith.addf %add3A_176, %mul3A_186 : vector<16xf32>
      %mul3A_188 = arith.mulf %gather3A_183, %gather3A_185 : vector<16xf32>
      %add3A_189 = arith.addf %add3A_178, %mul3A_188 : vector<16xf32>
      %mul3A_190 = arith.constant 32 : i32
      %mul3A_191 = arith.muli %scan3A_9, %mul3A_190 : i32
      %swap3A = arith.index_cast %mul3A_191 : i32 to index
      %swap3A_192 = tpu.vector_load %arg9[%swap3A] {strides = array<i32>} : memref<9600xf32, #tpu.memory_space<vmem>>, vector<16xf32>,
      tpu.vector_store %arg9[%swap3A], %add3A_187 {strides = array<i32>} : memref<9600xf32, #tpu.memory_space<vmem>>, vector<16xf32>,
      %add3A_193 = arith.constant 16 : i32
      %add3A_194 = arith.addi %mul3A_191, %add3A_193 : i32
      %swap3A_195 = arith.index_cast %add3A_194 : i32 to index
      %swap3A_196 = tpu.vector_load %arg9[%swap3A_195] {strides = array<i32>} : memref<9600xf32, #tpu.memory_space<vmem>>, vector<16xf32>,
      tpu.vector_store %arg9[%swap3A_195], %add3A_189 {strides = array<i32>} : memref<9600xf32, #tpu.memory_space<vmem>>, vector<16xf32>,
    }
    %scan3A_8 = arith.constant 300 : i32
    "tpu.region"() ({
      %run_scoped3A = tpu.sem_alloc : memref<!tpu.dma_semaphore, #tpu.memory_space<semaphore_mem>>
      %dma_start3A = arith.constant 0 : i32
      %dma_start3A_9 = tpu.memref_slice %arg5[%add3A, %dma_start3A] : memref<32x9600xf32, #tpu.memory_space<hbm>> -> memref<1x9600xf32, #tpu.memory_space<hbm>>
      %dma_start3A_10 = tpu.memref_squeeze %dma_start3A_9 : memref<1x9600xf32, #tpu.memory_space<hbm>> -> memref<9600xf32, #tpu.memory_space<hbm>>
      %dma_start3A_11 = arith.constant 0 : i32
      %dma_start3A_12 = tpu.memref_slice %arg5[%add3A, %dma_start3A_11] : memref<32x9600xf32, #tpu.memory_space<hbm>> -> memref<1x9600xf32, #tpu.memory_space<hbm>>
      %dma_start3A_13 = tpu.memref_squeeze %dma_start3A_12 : memref<1x9600xf32, #tpu.memory_space<hbm>> -> memref<9600xf32, #tpu.memory_space<hbm>>
      tpu.enqueue_dma source(%arg9 : memref<9600xf32, #tpu.memory_space<vmem>>) target(%dma_start3A_13 : memref<9600xf32, #tpu.memory_space<hbm>>) target_semaphore(%run_scoped3A : memref<!tpu.dma_semaphore, #tpu.memory_space<semaphore_mem>>)
      %dma_wait3A = arith.constant 0 : i32
      %dma_wait3A_14 = tpu.memref_slice %arg5[%add3A, %dma_wait3A] : memref<32x9600xf32, #tpu.memory_space<hbm>> -> memref<1x9600xf32, #tpu.memory_space<hbm>>
      %dma_wait3A_15 = tpu.memref_squeeze %dma_wait3A_14 : memref<1x9600xf32, #tpu.memory_space<hbm>> -> memref<9600xf32, #tpu.memory_space<hbm>>
      %dma_wait3A_16 = arith.constant 0 : i32
      %dma_wait3A_17 = tpu.memref_slice %arg5[%add3A, %dma_wait3A_16] : memref<32x9600xf32, #tpu.memory_space<hbm>> -> memref<1x9600xf32, #tpu.memory_space<hbm>>
      %dma_wait3A_18 = tpu.memref_squeeze %dma_wait3A_17 : memref<1x9600xf32, #tpu.memory_space<hbm>> -> memref<9600xf32, #tpu.memory_space<hbm>>
      tpu.wait_dma2 semaphore(%run_scoped3A : memref<!tpu.dma_semaphore, #tpu.memory_space<semaphore_mem>>) src(%arg9 : memref<9600xf32, #tpu.memory_space<vmem>>) dst(%dma_wait3A_18 : memref<9600xf32, #tpu.memory_space<hbm>>)
      tpu.yield
    }) : () -> ()
    return
  }
}

module attributes {stable_mosaic.version = 14 : i64} {
  func.func @_k1_body(%arg0: i32, %arg1: memref<1x300x256xf32, #tpu.memory_space<vmem>>, %arg2: memref<256x768xf32, #tpu.memory_space<vmem>>, %arg3: memref<768xf32, #tpu.memory_space<vmem>>, %arg4: memref<256x256xf32, #tpu.memory_space<vmem>>, %arg5: memref<256xf32, #tpu.memory_space<vmem>>, %arg6: memref<256xf32, #tpu.memory_space<vmem>>, %arg7: memref<256xf32, #tpu.memory_space<vmem>>, %arg8: memref<256x8xf32, #tpu.memory_space<vmem>>, %arg9: memref<8xf32, #tpu.memory_space<vmem>>, %arg10: memref<256x32xf32, #tpu.memory_space<vmem>>, %arg11: memref<32xf32, #tpu.memory_space<vmem>>, %arg12: memref<256x32xf32, #tpu.memory_space<vmem>>, %arg13: memref<32xf32, #tpu.memory_space<vmem>>, %arg14: memref<256x32xf32, #tpu.memory_space<vmem>>, %arg15: memref<32xf32, #tpu.memory_space<vmem>>, %arg16: memref<1x300x256xf32, #tpu.memory_space<vmem>>, %arg17: memref<1x4x300x32xi32, #tpu.memory_space<vmem>>, %arg18: memref<1x4x300x32xf32, #tpu.memory_space<vmem>>) attributes {dimension_semantics = [#tpu.dimension_semantics<arbitrary>], iteration_bounds = array<i64: 4>, scalar_prefetch = 0 : i64, scratch_operands = 0 : i64, tpu.core_type = #tpu.core_type<tc>, window_params = [{transform_indices = @transform_0, window_bounds = array<i64: 1, 300, 256>}, {pipeline_mode = #tpu.pipeline_mode<synchronous>, transform_indices = @transform_1, window_bounds = array<i64: 256, 768>}, {pipeline_mode = #tpu.pipeline_mode<synchronous>, transform_indices = @transform_2, window_bounds = array<i64: 768>}, {pipeline_mode = #tpu.pipeline_mode<synchronous>, transform_indices = @transform_3, window_bounds = array<i64: 256, 256>}, {pipeline_mode = #tpu.pipeline_mode<synchronous>, transform_indices = @transform_4, window_bounds = array<i64: 256>}, {pipeline_mode = #tpu.pipeline_mode<synchronous>, transform_indices = @transform_5, window_bounds = array<i64: 256>}, {pipeline_mode = #tpu.pipeline_mode<synchronous>, transform_indices = @transform_6, window_bounds = array<i64: 256>}, {pipeline_mode = #tpu.pipeline_mode<synchronous>, transform_indices = @transform_7, window_bounds = array<i64: 256, 8>}, {pipeline_mode = #tpu.pipeline_mode<synchronous>, transform_indices = @transform_8, window_bounds = array<i64: 8>}, {pipeline_mode = #tpu.pipeline_mode<synchronous>, transform_indices = @transform_9, window_bounds = array<i64: 256, 32>}, {pipeline_mode = #tpu.pipeline_mode<synchronous>, transform_indices = @transform_10, window_bounds = array<i64: 32>}, {pipeline_mode = #tpu.pipeline_mode<synchronous>, transform_indices = @transform_11, window_bounds = array<i64: 256, 32>}, {pipeline_mode = #tpu.pipeline_mode<synchronous>, transform_indices = @transform_12, window_bounds = array<i64: 32>}, {pipeline_mode = #tpu.pipeline_mode<synchronous>, transform_indices = @transform_13, window_bounds = array<i64: 256, 32>}, {pipeline_mode = #tpu.pipeline_mode<synchronous>, transform_indices = @transform_14, window_bounds = array<i64: 32>}, {transform_indices = @transform_15, window_bounds = array<i64: 1, 300, 256>}, {transform_indices = @transform_16, window_bounds = array<i64: 1, 4, 300, 32>}, {transform_indices = @transform_17, window_bounds = array<i64: 1, 4, 300, 32>}]} {
    %get3A = arith.constant 0 : index
    %get3A_0 = arith.constant 0 : index
    %get3A_1 = arith.constant 0 : index
    %get3A_2 = vector.load %arg1[%get3A, %get3A_0, %get3A_1] : memref<1x300x256xf32, #tpu.memory_space<vmem>>, vector<1x300x256xf32>
    %get3A_3 = vector.shape_cast %get3A_2 : vector<1x300x256xf32> to vector<300x256xf32>
    %get3A_4 = arith.constant 0 : index
    %get3A_5 = arith.constant 0 : index
    %get3A_6 = vector.load %arg2[%get3A_4, %get3A_5] : memref<256x768xf32, #tpu.memory_space<vmem>>, vector<256x768xf32>
    %dot_general3A = arith.constant dense<0.000000e+00> : vector<300x768xf32>
    %dot_general3A_7 = tpu.matmul %get3A_3, %get3A_6, %dot_general3A {dimension_numbers = #tpu.dot_dimension_numbers<[1], [0], [0], [1], [0, 0, 1, 1], [], []>, transpose_lhs_hint = false} : vector<300x256xf32>, vector<256x768xf32>, vector<300x768xf32> -> vector<300x768xf32>
    %get3A_8 = arith.constant 0 : index
    %get3A_9 = vector.load %arg3[%get3A_8] : memref<768xf32, #tpu.memory_space<vmem>>, vector<768xf32>
    %broadcast_in_dim3A = vector.shape_cast %get3A_9 : vector<768xf32> to vector<1x768xf32>
    %add3A = vector.broadcast %broadcast_in_dim3A : vector<1x768xf32> to vector<300x768xf32>
    %add3A_10 = arith.addf %dot_general3A_7, %add3A : vector<300x768xf32>
    %slice3A = vector.extract_strided_slice %add3A_10 {offsets = [0, 0], sizes = [300, 256], strides = [1, 1]} : vector<300x768xf32> to vector<300x256xf32>
    %slice3A_11 = vector.extract_strided_slice %add3A_10 {offsets = [0, 256], sizes = [300, 256], strides = [1, 1]} : vector<300x768xf32> to vector<300x256xf32>
    %slice3A_12 = vector.extract_strided_slice %add3A_10 {offsets = [0, 512], sizes = [300, 256], strides = [1, 1]} : vector<300x768xf32> to vector<300x256xf32>
    %slice3A_13 = vector.extract_strided_slice %slice3A {offsets = [0, 0], sizes = [300, 32], strides = [1, 1]} : vector<300x256xf32> to vector<300x32xf32>
    %slice3A_14 = vector.extract_strided_slice %slice3A_11 {offsets = [0, 0], sizes = [300, 32], strides = [1, 1]} : vector<300x256xf32> to vector<300x32xf32>
    %slice3A_15 = vector.extract_strided_slice %slice3A_12 {offsets = [0, 0], sizes = [300, 32], strides = [1, 1]} : vector<300x256xf32> to vector<300x32xf32>
    %dot_general3A_16 = arith.constant dense<0.000000e+00> : vector<300x300xf32>
    %dot_general3A_17 = tpu.matmul %slice3A_13, %slice3A_14, %dot_general3A_16 {dimension_numbers = #tpu.dot_dimension_numbers<[1], [1], [0], [0], [0, 0, 1, 0], [], []>, transpose_lhs_hint = false} : vector<300x32xf32>, vector<300x32xf32>, vector<300x300xf32> -> vector<300x300xf32>
    %mul3A = arith.constant 0.176776692 : f32
    %mul3A_18 = vector.broadcast %mul3A : f32 to vector<300x300xf32>
    %mul3A_19 = arith.mulf %dot_general3A_17, %mul3A_18 : vector<300x300xf32>
    %reduce_max3A = arith.constant dense<0xFF800000> : vector<300xf32>
    %reduce_max3A_20 = vector.multi_reduction <maximumf>, %mul3A_19, %reduce_max3A [1] : vector<300x300xf32> to vector<300xf32>
    %max3A = arith.constant 0xFF800000 : f32
    %max3A_21 = vector.broadcast %max3A : f32 to vector<300xf32>
    %max3A_22 = arith.maximumf %max3A_21, %reduce_max3A_20 : vector<300xf32>
    %broadcast_in_dim3A_23 = vector.shape_cast %max3A_22 : vector<300xf32> to vector<300x1xf32>
    %sub3A = vector.broadcast %broadcast_in_dim3A_23 : vector<300x1xf32> to vector<300x300xf32>
    %sub3A_24 = arith.subf %mul3A_19, %sub3A : vector<300x300xf32>
    %exp3A = math.exp %sub3A_24 : vector<300x300xf32>
    %reduce_sum3A = arith.constant dense<0.000000e+00> : vector<300xf32>
    %reduce_sum3A_25 = vector.multi_reduction <add>, %exp3A, %reduce_sum3A [1] : vector<300x300xf32> to vector<300xf32>
    %broadcast_in_dim3A_26 = vector.shape_cast %reduce_sum3A_25 : vector<300xf32> to vector<300x1xf32>
    %div3A = vector.broadcast %broadcast_in_dim3A_26 : vector<300x1xf32> to vector<300x300xf32>
    %div3A_27 = arith.divf %exp3A, %div3A : vector<300x300xf32>
    %dot_general3A_28 = arith.constant dense<0.000000e+00> : vector<300x32xf32>
    %dot_general3A_29 = tpu.matmul %div3A_27, %slice3A_15, %dot_general3A_28 {dimension_numbers = #tpu.dot_dimension_numbers<[1], [0], [0], [1], [0, 0, 1, 1], [], []>, transpose_lhs_hint = false} : vector<300x300xf32>, vector<300x32xf32>, vector<300x32xf32> -> vector<300x32xf32>
    %slice3A_30 = vector.extract_strided_slice %slice3A {offsets = [0, 32], sizes = [300, 32], strides = [1, 1]} : vector<300x256xf32> to vector<300x32xf32>
    %slice3A_31 = vector.extract_strided_slice %slice3A_11 {offsets = [0, 32], sizes = [300, 32], strides = [1, 1]} : vector<300x256xf32> to vector<300x32xf32>
    %slice3A_32 = vector.extract_strided_slice %slice3A_12 {offsets = [0, 32], sizes = [300, 32], strides = [1, 1]} : vector<300x256xf32> to vector<300x32xf32>
    %dot_general3A_33 = arith.constant dense<0.000000e+00> : vector<300x300xf32>
    %dot_general3A_34 = tpu.matmul %slice3A_30, %slice3A_31, %dot_general3A_33 {dimension_numbers = #tpu.dot_dimension_numbers<[1], [1], [0], [0], [0, 0, 1, 0], [], []>, transpose_lhs_hint = false} : vector<300x32xf32>, vector<300x32xf32>, vector<300x300xf32> -> vector<300x300xf32>
    %mul3A_35 = arith.constant 0.176776692 : f32
    %mul3A_36 = vector.broadcast %mul3A_35 : f32 to vector<300x300xf32>
    %mul3A_37 = arith.mulf %dot_general3A_34, %mul3A_36 : vector<300x300xf32>
    %reduce_max3A_38 = arith.constant dense<0xFF800000> : vector<300xf32>
    %reduce_max3A_39 = vector.multi_reduction <maximumf>, %mul3A_37, %reduce_max3A_38 [1] : vector<300x300xf32> to vector<300xf32>
    %max3A_40 = arith.constant 0xFF800000 : f32
    %max3A_41 = vector.broadcast %max3A_40 : f32 to vector<300xf32>
    %max3A_42 = arith.maximumf %max3A_41, %reduce_max3A_39 : vector<300xf32>
    %broadcast_in_dim3A_43 = vector.shape_cast %max3A_42 : vector<300xf32> to vector<300x1xf32>
    %sub3A_44 = vector.broadcast %broadcast_in_dim3A_43 : vector<300x1xf32> to vector<300x300xf32>
    %sub3A_45 = arith.subf %mul3A_37, %sub3A_44 : vector<300x300xf32>
    %exp3A_46 = math.exp %sub3A_45 : vector<300x300xf32>
    %reduce_sum3A_47 = arith.constant dense<0.000000e+00> : vector<300xf32>
    %reduce_sum3A_48 = vector.multi_reduction <add>, %exp3A_46, %reduce_sum3A_47 [1] : vector<300x300xf32> to vector<300xf32>
    %broadcast_in_dim3A_49 = vector.shape_cast %reduce_sum3A_48 : vector<300xf32> to vector<300x1xf32>
    %div3A_50 = vector.broadcast %broadcast_in_dim3A_49 : vector<300x1xf32> to vector<300x300xf32>
    %div3A_51 = arith.divf %exp3A_46, %div3A_50 : vector<300x300xf32>
    %dot_general3A_52 = arith.constant dense<0.000000e+00> : vector<300x32xf32>
    %dot_general3A_53 = tpu.matmul %div3A_51, %slice3A_32, %dot_general3A_52 {dimension_numbers = #tpu.dot_dimension_numbers<[1], [0], [0], [1], [0, 0, 1, 1], [], []>, transpose_lhs_hint = false} : vector<300x300xf32>, vector<300x32xf32>, vector<300x32xf32> -> vector<300x32xf32>
    %slice3A_54 = vector.extract_strided_slice %slice3A {offsets = [0, 64], sizes = [300, 32], strides = [1, 1]} : vector<300x256xf32> to vector<300x32xf32>
    %slice3A_55 = vector.extract_strided_slice %slice3A_11 {offsets = [0, 64], sizes = [300, 32], strides = [1, 1]} : vector<300x256xf32> to vector<300x32xf32>
    %slice3A_56 = vector.extract_strided_slice %slice3A_12 {offsets = [0, 64], sizes = [300, 32], strides = [1, 1]} : vector<300x256xf32> to vector<300x32xf32>
    %dot_general3A_57 = arith.constant dense<0.000000e+00> : vector<300x300xf32>
    %dot_general3A_58 = tpu.matmul %slice3A_54, %slice3A_55, %dot_general3A_57 {dimension_numbers = #tpu.dot_dimension_numbers<[1], [1], [0], [0], [0, 0, 1, 0], [], []>, transpose_lhs_hint = false} : vector<300x32xf32>, vector<300x32xf32>, vector<300x300xf32> -> vector<300x300xf32>
    %mul3A_59 = arith.constant 0.176776692 : f32
    %mul3A_60 = vector.broadcast %mul3A_59 : f32 to vector<300x300xf32>
    %mul3A_61 = arith.mulf %dot_general3A_58, %mul3A_60 : vector<300x300xf32>
    %reduce_max3A_62 = arith.constant dense<0xFF800000> : vector<300xf32>
    %reduce_max3A_63 = vector.multi_reduction <maximumf>, %mul3A_61, %reduce_max3A_62 [1] : vector<300x300xf32> to vector<300xf32>
    %max3A_64 = arith.constant 0xFF800000 : f32
    %max3A_65 = vector.broadcast %max3A_64 : f32 to vector<300xf32>
    %max3A_66 = arith.maximumf %max3A_65, %reduce_max3A_63 : vector<300xf32>
    %broadcast_in_dim3A_67 = vector.shape_cast %max3A_66 : vector<300xf32> to vector<300x1xf32>
    %sub3A_68 = vector.broadcast %broadcast_in_dim3A_67 : vector<300x1xf32> to vector<300x300xf32>
    %sub3A_69 = arith.subf %mul3A_61, %sub3A_68 : vector<300x300xf32>
    %exp3A_70 = math.exp %sub3A_69 : vector<300x300xf32>
    %reduce_sum3A_71 = arith.constant dense<0.000000e+00> : vector<300xf32>
    %reduce_sum3A_72 = vector.multi_reduction <add>, %exp3A_70, %reduce_sum3A_71 [1] : vector<300x300xf32> to vector<300xf32>
    %broadcast_in_dim3A_73 = vector.shape_cast %reduce_sum3A_72 : vector<300xf32> to vector<300x1xf32>
    %div3A_74 = vector.broadcast %broadcast_in_dim3A_73 : vector<300x1xf32> to vector<300x300xf32>
    %div3A_75 = arith.divf %exp3A_70, %div3A_74 : vector<300x300xf32>
    %dot_general3A_76 = arith.constant dense<0.000000e+00> : vector<300x32xf32>
    %dot_general3A_77 = tpu.matmul %div3A_75, %slice3A_56, %dot_general3A_76 {dimension_numbers = #tpu.dot_dimension_numbers<[1], [0], [0], [1], [0, 0, 1, 1], [], []>, transpose_lhs_hint = false} : vector<300x300xf32>, vector<300x32xf32>, vector<300x32xf32> -> vector<300x32xf32>
    %slice3A_78 = vector.extract_strided_slice %slice3A {offsets = [0, 96], sizes = [300, 32], strides = [1, 1]} : vector<300x256xf32> to vector<300x32xf32>
    %slice3A_79 = vector.extract_strided_slice %slice3A_11 {offsets = [0, 96], sizes = [300, 32], strides = [1, 1]} : vector<300x256xf32> to vector<300x32xf32>
    %slice3A_80 = vector.extract_strided_slice %slice3A_12 {offsets = [0, 96], sizes = [300, 32], strides = [1, 1]} : vector<300x256xf32> to vector<300x32xf32>
    %dot_general3A_81 = arith.constant dense<0.000000e+00> : vector<300x300xf32>
    %dot_general3A_82 = tpu.matmul %slice3A_78, %slice3A_79, %dot_general3A_81 {dimension_numbers = #tpu.dot_dimension_numbers<[1], [1], [0], [0], [0, 0, 1, 0], [], []>, transpose_lhs_hint = false} : vector<300x32xf32>, vector<300x32xf32>, vector<300x300xf32> -> vector<300x300xf32>
    %mul3A_83 = arith.constant 0.176776692 : f32
    %mul3A_84 = vector.broadcast %mul3A_83 : f32 to vector<300x300xf32>
    %mul3A_85 = arith.mulf %dot_general3A_82, %mul3A_84 : vector<300x300xf32>
    %reduce_max3A_86 = arith.constant dense<0xFF800000> : vector<300xf32>
    %reduce_max3A_87 = vector.multi_reduction <maximumf>, %mul3A_85, %reduce_max3A_86 [1] : vector<300x300xf32> to vector<300xf32>
    %max3A_88 = arith.constant 0xFF800000 : f32
    %max3A_89 = vector.broadcast %max3A_88 : f32 to vector<300xf32>
    %max3A_90 = arith.maximumf %max3A_89, %reduce_max3A_87 : vector<300xf32>
    %broadcast_in_dim3A_91 = vector.shape_cast %max3A_90 : vector<300xf32> to vector<300x1xf32>
    %sub3A_92 = vector.broadcast %broadcast_in_dim3A_91 : vector<300x1xf32> to vector<300x300xf32>
    %sub3A_93 = arith.subf %mul3A_85, %sub3A_92 : vector<300x300xf32>
    %exp3A_94 = math.exp %sub3A_93 : vector<300x300xf32>
    %reduce_sum3A_95 = arith.constant dense<0.000000e+00> : vector<300xf32>
    %reduce_sum3A_96 = vector.multi_reduction <add>, %exp3A_94, %reduce_sum3A_95 [1] : vector<300x300xf32> to vector<300xf32>
    %broadcast_in_dim3A_97 = vector.shape_cast %reduce_sum3A_96 : vector<300xf32> to vector<300x1xf32>
    %div3A_98 = vector.broadcast %broadcast_in_dim3A_97 : vector<300x1xf32> to vector<300x300xf32>
    %div3A_99 = arith.divf %exp3A_94, %div3A_98 : vector<300x300xf32>
    %dot_general3A_100 = arith.constant dense<0.000000e+00> : vector<300x32xf32>
    %dot_general3A_101 = tpu.matmul %div3A_99, %slice3A_80, %dot_general3A_100 {dimension_numbers = #tpu.dot_dimension_numbers<[1], [0], [0], [1], [0, 0, 1, 1], [], []>, transpose_lhs_hint = false} : vector<300x300xf32>, vector<300x32xf32>, vector<300x32xf32> -> vector<300x32xf32>
    %slice3A_102 = vector.extract_strided_slice %slice3A {offsets = [0, 128], sizes = [300, 32], strides = [1, 1]} : vector<300x256xf32> to vector<300x32xf32>
    %slice3A_103 = vector.extract_strided_slice %slice3A_11 {offsets = [0, 128], sizes = [300, 32], strides = [1, 1]} : vector<300x256xf32> to vector<300x32xf32>
    %slice3A_104 = vector.extract_strided_slice %slice3A_12 {offsets = [0, 128], sizes = [300, 32], strides = [1, 1]} : vector<300x256xf32> to vector<300x32xf32>
    %dot_general3A_105 = arith.constant dense<0.000000e+00> : vector<300x300xf32>
    %dot_general3A_106 = tpu.matmul %slice3A_102, %slice3A_103, %dot_general3A_105 {dimension_numbers = #tpu.dot_dimension_numbers<[1], [1], [0], [0], [0, 0, 1, 0], [], []>, transpose_lhs_hint = false} : vector<300x32xf32>, vector<300x32xf32>, vector<300x300xf32> -> vector<300x300xf32>
    %mul3A_107 = arith.constant 0.176776692 : f32
    %mul3A_108 = vector.broadcast %mul3A_107 : f32 to vector<300x300xf32>
    %mul3A_109 = arith.mulf %dot_general3A_106, %mul3A_108 : vector<300x300xf32>
    %reduce_max3A_110 = arith.constant dense<0xFF800000> : vector<300xf32>
    %reduce_max3A_111 = vector.multi_reduction <maximumf>, %mul3A_109, %reduce_max3A_110 [1] : vector<300x300xf32> to vector<300xf32>
    %max3A_112 = arith.constant 0xFF800000 : f32
    %max3A_113 = vector.broadcast %max3A_112 : f32 to vector<300xf32>
    %max3A_114 = arith.maximumf %max3A_113, %reduce_max3A_111 : vector<300xf32>
    %broadcast_in_dim3A_115 = vector.shape_cast %max3A_114 : vector<300xf32> to vector<300x1xf32>
    %sub3A_116 = vector.broadcast %broadcast_in_dim3A_115 : vector<300x1xf32> to vector<300x300xf32>
    %sub3A_117 = arith.subf %mul3A_109, %sub3A_116 : vector<300x300xf32>
    %exp3A_118 = math.exp %sub3A_117 : vector<300x300xf32>
    %reduce_sum3A_119 = arith.constant dense<0.000000e+00> : vector<300xf32>
    %reduce_sum3A_120 = vector.multi_reduction <add>, %exp3A_118, %reduce_sum3A_119 [1] : vector<300x300xf32> to vector<300xf32>
    %broadcast_in_dim3A_121 = vector.shape_cast %reduce_sum3A_120 : vector<300xf32> to vector<300x1xf32>
    %div3A_122 = vector.broadcast %broadcast_in_dim3A_121 : vector<300x1xf32> to vector<300x300xf32>
    %div3A_123 = arith.divf %exp3A_118, %div3A_122 : vector<300x300xf32>
    %dot_general3A_124 = arith.constant dense<0.000000e+00> : vector<300x32xf32>
    %dot_general3A_125 = tpu.matmul %div3A_123, %slice3A_104, %dot_general3A_124 {dimension_numbers = #tpu.dot_dimension_numbers<[1], [0], [0], [1], [0, 0, 1, 1], [], []>, transpose_lhs_hint = false} : vector<300x300xf32>, vector<300x32xf32>, vector<300x32xf32> -> vector<300x32xf32>
    %slice3A_126 = vector.extract_strided_slice %slice3A {offsets = [0, 160], sizes = [300, 32], strides = [1, 1]} : vector<300x256xf32> to vector<300x32xf32>
    %slice3A_127 = vector.extract_strided_slice %slice3A_11 {offsets = [0, 160], sizes = [300, 32], strides = [1, 1]} : vector<300x256xf32> to vector<300x32xf32>
    %slice3A_128 = vector.extract_strided_slice %slice3A_12 {offsets = [0, 160], sizes = [300, 32], strides = [1, 1]} : vector<300x256xf32> to vector<300x32xf32>
    %dot_general3A_129 = arith.constant dense<0.000000e+00> : vector<300x300xf32>
    %dot_general3A_130 = tpu.matmul %slice3A_126, %slice3A_127, %dot_general3A_129 {dimension_numbers = #tpu.dot_dimension_numbers<[1], [1], [0], [0], [0, 0, 1, 0], [], []>, transpose_lhs_hint = false} : vector<300x32xf32>, vector<300x32xf32>, vector<300x300xf32> -> vector<300x300xf32>
    %mul3A_131 = arith.constant 0.176776692 : f32
    %mul3A_132 = vector.broadcast %mul3A_131 : f32 to vector<300x300xf32>
    %mul3A_133 = arith.mulf %dot_general3A_130, %mul3A_132 : vector<300x300xf32>
    %reduce_max3A_134 = arith.constant dense<0xFF800000> : vector<300xf32>
    %reduce_max3A_135 = vector.multi_reduction <maximumf>, %mul3A_133, %reduce_max3A_134 [1] : vector<300x300xf32> to vector<300xf32>
    %max3A_136 = arith.constant 0xFF800000 : f32
    %max3A_137 = vector.broadcast %max3A_136 : f32 to vector<300xf32>
    %max3A_138 = arith.maximumf %max3A_137, %reduce_max3A_135 : vector<300xf32>
    %broadcast_in_dim3A_139 = vector.shape_cast %max3A_138 : vector<300xf32> to vector<300x1xf32>
    %sub3A_140 = vector.broadcast %broadcast_in_dim3A_139 : vector<300x1xf32> to vector<300x300xf32>
    %sub3A_141 = arith.subf %mul3A_133, %sub3A_140 : vector<300x300xf32>
    %exp3A_142 = math.exp %sub3A_141 : vector<300x300xf32>
    %reduce_sum3A_143 = arith.constant dense<0.000000e+00> : vector<300xf32>
    %reduce_sum3A_144 = vector.multi_reduction <add>, %exp3A_142, %reduce_sum3A_143 [1] : vector<300x300xf32> to vector<300xf32>
    %broadcast_in_dim3A_145 = vector.shape_cast %reduce_sum3A_144 : vector<300xf32> to vector<300x1xf32>
    %div3A_146 = vector.broadcast %broadcast_in_dim3A_145 : vector<300x1xf32> to vector<300x300xf32>
    %div3A_147 = arith.divf %exp3A_142, %div3A_146 : vector<300x300xf32>
    %dot_general3A_148 = arith.constant dense<0.000000e+00> : vector<300x32xf32>
    %dot_general3A_149 = tpu.matmul %div3A_147, %slice3A_128, %dot_general3A_148 {dimension_numbers = #tpu.dot_dimension_numbers<[1], [0], [0], [1], [0, 0, 1, 1], [], []>, transpose_lhs_hint = false} : vector<300x300xf32>, vector<300x32xf32>, vector<300x32xf32> -> vector<300x32xf32>
    %slice3A_150 = vector.extract_strided_slice %slice3A {offsets = [0, 192], sizes = [300, 32], strides = [1, 1]} : vector<300x256xf32> to vector<300x32xf32>
    %slice3A_151 = vector.extract_strided_slice %slice3A_11 {offsets = [0, 192], sizes = [300, 32], strides = [1, 1]} : vector<300x256xf32> to vector<300x32xf32>
    %slice3A_152 = vector.extract_strided_slice %slice3A_12 {offsets = [0, 192], sizes = [300, 32], strides = [1, 1]} : vector<300x256xf32> to vector<300x32xf32>
    %dot_general3A_153 = arith.constant dense<0.000000e+00> : vector<300x300xf32>
    %dot_general3A_154 = tpu.matmul %slice3A_150, %slice3A_151, %dot_general3A_153 {dimension_numbers = #tpu.dot_dimension_numbers<[1], [1], [0], [0], [0, 0, 1, 0], [], []>, transpose_lhs_hint = false} : vector<300x32xf32>, vector<300x32xf32>, vector<300x300xf32> -> vector<300x300xf32>
    %mul3A_155 = arith.constant 0.176776692 : f32
    %mul3A_156 = vector.broadcast %mul3A_155 : f32 to vector<300x300xf32>
    %mul3A_157 = arith.mulf %dot_general3A_154, %mul3A_156 : vector<300x300xf32>
    %reduce_max3A_158 = arith.constant dense<0xFF800000> : vector<300xf32>
    %reduce_max3A_159 = vector.multi_reduction <maximumf>, %mul3A_157, %reduce_max3A_158 [1] : vector<300x300xf32> to vector<300xf32>
    %max3A_160 = arith.constant 0xFF800000 : f32
    %max3A_161 = vector.broadcast %max3A_160 : f32 to vector<300xf32>
    %max3A_162 = arith.maximumf %max3A_161, %reduce_max3A_159 : vector<300xf32>
    %broadcast_in_dim3A_163 = vector.shape_cast %max3A_162 : vector<300xf32> to vector<300x1xf32>
    %sub3A_164 = vector.broadcast %broadcast_in_dim3A_163 : vector<300x1xf32> to vector<300x300xf32>
    %sub3A_165 = arith.subf %mul3A_157, %sub3A_164 : vector<300x300xf32>
    %exp3A_166 = math.exp %sub3A_165 : vector<300x300xf32>
    %reduce_sum3A_167 = arith.constant dense<0.000000e+00> : vector<300xf32>
    %reduce_sum3A_168 = vector.multi_reduction <add>, %exp3A_166, %reduce_sum3A_167 [1] : vector<300x300xf32> to vector<300xf32>
    %broadcast_in_dim3A_169 = vector.shape_cast %reduce_sum3A_168 : vector<300xf32> to vector<300x1xf32>
    %div3A_170 = vector.broadcast %broadcast_in_dim3A_169 : vector<300x1xf32> to vector<300x300xf32>
    %div3A_171 = arith.divf %exp3A_166, %div3A_170 : vector<300x300xf32>
    %dot_general3A_172 = arith.constant dense<0.000000e+00> : vector<300x32xf32>
    %dot_general3A_173 = tpu.matmul %div3A_171, %slice3A_152, %dot_general3A_172 {dimension_numbers = #tpu.dot_dimension_numbers<[1], [0], [0], [1], [0, 0, 1, 1], [], []>, transpose_lhs_hint = false} : vector<300x300xf32>, vector<300x32xf32>, vector<300x32xf32> -> vector<300x32xf32>
    %slice3A_174 = vector.extract_strided_slice %slice3A {offsets = [0, 224], sizes = [300, 32], strides = [1, 1]} : vector<300x256xf32> to vector<300x32xf32>
    %slice3A_175 = vector.extract_strided_slice %slice3A_11 {offsets = [0, 224], sizes = [300, 32], strides = [1, 1]} : vector<300x256xf32> to vector<300x32xf32>
    %slice3A_176 = vector.extract_strided_slice %slice3A_12 {offsets = [0, 224], sizes = [300, 32], strides = [1, 1]} : vector<300x256xf32> to vector<300x32xf32>
    %dot_general3A_177 = arith.constant dense<0.000000e+00> : vector<300x300xf32>
    %dot_general3A_178 = tpu.matmul %slice3A_174, %slice3A_175, %dot_general3A_177 {dimension_numbers = #tpu.dot_dimension_numbers<[1], [1], [0], [0], [0, 0, 1, 0], [], []>, transpose_lhs_hint = false} : vector<300x32xf32>, vector<300x32xf32>, vector<300x300xf32> -> vector<300x300xf32>
    %mul3A_179 = arith.constant 0.176776692 : f32
    %mul3A_180 = vector.broadcast %mul3A_179 : f32 to vector<300x300xf32>
    %mul3A_181 = arith.mulf %dot_general3A_178, %mul3A_180 : vector<300x300xf32>
    %reduce_max3A_182 = arith.constant dense<0xFF800000> : vector<300xf32>
    %reduce_max3A_183 = vector.multi_reduction <maximumf>, %mul3A_181, %reduce_max3A_182 [1] : vector<300x300xf32> to vector<300xf32>
    %max3A_184 = arith.constant 0xFF800000 : f32
    %max3A_185 = vector.broadcast %max3A_184 : f32 to vector<300xf32>
    %max3A_186 = arith.maximumf %max3A_185, %reduce_max3A_183 : vector<300xf32>
    %broadcast_in_dim3A_187 = vector.shape_cast %max3A_186 : vector<300xf32> to vector<300x1xf32>
    %sub3A_188 = vector.broadcast %broadcast_in_dim3A_187 : vector<300x1xf32> to vector<300x300xf32>
    %sub3A_189 = arith.subf %mul3A_181, %sub3A_188 : vector<300x300xf32>
    %exp3A_190 = math.exp %sub3A_189 : vector<300x300xf32>
    %reduce_sum3A_191 = arith.constant dense<0.000000e+00> : vector<300xf32>
    %reduce_sum3A_192 = vector.multi_reduction <add>, %exp3A_190, %reduce_sum3A_191 [1] : vector<300x300xf32> to vector<300xf32>
    %broadcast_in_dim3A_193 = vector.shape_cast %reduce_sum3A_192 : vector<300xf32> to vector<300x1xf32>
    %div3A_194 = vector.broadcast %broadcast_in_dim3A_193 : vector<300x1xf32> to vector<300x300xf32>
    %div3A_195 = arith.divf %exp3A_190, %div3A_194 : vector<300x300xf32>
    %dot_general3A_196 = arith.constant dense<0.000000e+00> : vector<300x32xf32>
    %dot_general3A_197 = tpu.matmul %div3A_195, %slice3A_176, %dot_general3A_196 {dimension_numbers = #tpu.dot_dimension_numbers<[1], [0], [0], [1], [0, 0, 1, 1], [], []>, transpose_lhs_hint = false} : vector<300x300xf32>, vector<300x32xf32>, vector<300x32xf32> -> vector<300x32xf32>
    %concatenate3A = tpu.concatenate %dot_general3A_29, %dot_general3A_53, %dot_general3A_77, %dot_general3A_101, %dot_general3A_125, %dot_general3A_149, %dot_general3A_173, %dot_general3A_197 in 1 : vector<300x32xf32>, vector<300x32xf32>, vector<300x32xf32>, vector<300x32xf32>, vector<300x32xf32>, vector<300x32xf32>, vector<300x32xf32>, vector<300x32xf32> -> vector<300x256xf32>
    %get3A_198 = arith.constant 0 : index
    %get3A_199 = arith.constant 0 : index
    %get3A_200 = vector.load %arg4[%get3A_198, %get3A_199] : memref<256x256xf32, #tpu.memory_space<vmem>>, vector<256x256xf32>
    %dot_general3A_201 = arith.constant dense<0.000000e+00> : vector<300x256xf32>
    %dot_general3A_202 = tpu.matmul %concatenate3A, %get3A_200, %dot_general3A_201 {dimension_numbers = #tpu.dot_dimension_numbers<[1], [0], [0], [1], [0, 0, 1, 1], [], []>, transpose_lhs_hint = false} : vector<300x256xf32>, vector<256x256xf32>, vector<300x256xf32> -> vector<300x256xf32>
    %get3A_203 = arith.constant 0 : index
    %get3A_204 = vector.load %arg5[%get3A_203] : memref<256xf32, #tpu.memory_space<vmem>>, vector<256xf32>
    %broadcast_in_dim3A_205 = vector.shape_cast %get3A_204 : vector<256xf32> to vector<1x256xf32>
    %add3A_206 = vector.broadcast %broadcast_in_dim3A_205 : vector<1x256xf32> to vector<300x256xf32>
    %add3A_207 = arith.addf %dot_general3A_202, %add3A_206 : vector<300x256xf32>
    %add3A_208 = arith.addf %get3A_3, %add3A_207 : vector<300x256xf32>
    %get3A_209 = arith.constant 0 : index
    %get3A_210 = vector.load %arg6[%get3A_209] : memref<256xf32, #tpu.memory_space<vmem>>, vector<256xf32>
    %get3A_211 = arith.constant 0 : index
    %get3A_212 = vector.load %arg7[%get3A_211] : memref<256xf32, #tpu.memory_space<vmem>>, vector<256xf32>
    %reduce_sum3A_213 = arith.constant dense<0.000000e+00> : vector<300xf32>
    %reduce_sum3A_214 = vector.multi_reduction <add>, %add3A_208, %reduce_sum3A_213 [1] : vector<300x256xf32> to vector<300xf32>
    %broadcast_in_dim3A_215 = vector.shape_cast %reduce_sum3A_214 : vector<300xf32> to vector<300x1xf32>
    %div3A_216 = arith.constant 2.560000e+02 : f32
    %div3A_217 = vector.broadcast %div3A_216 : f32 to vector<300x1xf32>
    %div3A_218 = arith.divf %broadcast_in_dim3A_215, %div3A_217 : vector<300x1xf32>
    %sub3A_219 = vector.broadcast %div3A_218 : vector<300x1xf32> to vector<300x256xf32>
    %sub3A_220 = arith.subf %add3A_208, %sub3A_219 : vector<300x256xf32>
    %integer_pow3A = arith.mulf %sub3A_220, %sub3A_220 : vector<300x256xf32>
    %reduce_sum3A_221 = arith.constant dense<0.000000e+00> : vector<300xf32>
    %reduce_sum3A_222 = vector.multi_reduction <add>, %integer_pow3A, %reduce_sum3A_221 [1] : vector<300x256xf32> to vector<300xf32>
    %broadcast_in_dim3A_223 = vector.shape_cast %reduce_sum3A_222 : vector<300xf32> to vector<300x1xf32>
    %div3A_224 = arith.constant 2.560000e+02 : f32
    %div3A_225 = vector.broadcast %div3A_224 : f32 to vector<300x1xf32>
    %div3A_226 = arith.divf %broadcast_in_dim3A_223, %div3A_225 : vector<300x1xf32>
    %sub3A_227 = vector.broadcast %div3A_218 : vector<300x1xf32> to vector<300x256xf32>
    %sub3A_228 = arith.subf %add3A_208, %sub3A_227 : vector<300x256xf32>
    %add3A_229 = arith.constant 9.99999974E-6 : f32
    %add3A_230 = vector.broadcast %add3A_229 : f32 to vector<300x1xf32>
    %add3A_231 = arith.addf %div3A_226, %add3A_230 : vector<300x1xf32>
    %sqrt3A = math.sqrt %add3A_231 : vector<300x1xf32>
    %div3A_232 = vector.broadcast %sqrt3A : vector<300x1xf32> to vector<300x256xf32>
    %div3A_233 = arith.divf %sub3A_228, %div3A_232 : vector<300x256xf32>
    %broadcast_in_dim3A_234 = vector.shape_cast %get3A_210 : vector<256xf32> to vector<1x256xf32>
    %mul3A_235 = vector.broadcast %broadcast_in_dim3A_234 : vector<1x256xf32> to vector<300x256xf32>
    %mul3A_236 = arith.mulf %div3A_233, %mul3A_235 : vector<300x256xf32>
    %broadcast_in_dim3A_237 = vector.shape_cast %get3A_212 : vector<256xf32> to vector<1x256xf32>
    %add3A_238 = vector.broadcast %broadcast_in_dim3A_237 : vector<1x256xf32> to vector<300x256xf32>
    %add3A_239 = arith.addf %mul3A_236, %add3A_238 : vector<300x256xf32>
    %swap3A = arith.constant 0 : index
    %swap3A_240 = arith.constant 0 : index
    %swap3A_241 = arith.constant 0 : index
    %swap3A_242 = vector.load %arg16[%swap3A, %swap3A_240, %swap3A_241] : memref<1x300x256xf32, #tpu.memory_space<vmem>>, vector<1x300x256xf32>
    %swap3A_243 = vector.shape_cast %swap3A_242 : vector<1x300x256xf32> to vector<300x256xf32>
    %swap3A_244 = vector.shape_cast %add3A_239 : vector<300x256xf32> to vector<1x300x256xf32>
    tpu.vector_store %arg16[%swap3A, %swap3A_240, %swap3A_241], %swap3A_244 {strides = array<i32>} : memref<1x300x256xf32, #tpu.memory_space<vmem>>, vector<1x300x256xf32>,
    %get3A_245 = arith.constant 0 : index
    %get3A_246 = arith.constant 0 : index
    %get3A_247 = vector.load %arg8[%get3A_245, %get3A_246] : memref<256x8xf32, #tpu.memory_space<vmem>>, vector<256x8xf32>
    %dot_general3A_248 = arith.constant dense<0.000000e+00> : vector<300x8xf32>
    %dot_general3A_249 = tpu.matmul %add3A_239, %get3A_247, %dot_general3A_248 {dimension_numbers = #tpu.dot_dimension_numbers<[1], [0], [0], [1], [0, 0, 1, 1], [], []>, transpose_lhs_hint = false} : vector<300x256xf32>, vector<256x8xf32>, vector<300x8xf32> -> vector<300x8xf32>
    %get3A_250 = arith.constant 0 : index
    %get3A_251 = vector.load %arg9[%get3A_250] : memref<8xf32, #tpu.memory_space<vmem>>, vector<8xf32>
    %broadcast_in_dim3A_252 = vector.shape_cast %get3A_251 : vector<8xf32> to vector<1x8xf32>
    %add3A_253 = vector.broadcast %broadcast_in_dim3A_252 : vector<1x8xf32> to vector<300x8xf32>
    %add3A_254 = arith.addf %dot_general3A_249, %add3A_253 : vector<300x8xf32>
    %logistic3A = arith.negf %add3A_254 : vector<300x8xf32>
    %logistic3A_255 = math.exp %logistic3A : vector<300x8xf32>
    %logistic3A_256 = arith.constant 1.000000e+00 : f32
    %logistic3A_257 = vector.broadcast %logistic3A_256 : f32 to vector<300x8xf32>
    %logistic3A_258 = arith.addf %logistic3A_257, %logistic3A_255 : vector<300x8xf32>
    %logistic3A_259 = arith.divf %logistic3A_257, %logistic3A_258 : vector<300x8xf32>
    %slice3A_260 = vector.extract_strided_slice %logistic3A_259 {offsets = [0, 0], sizes = [300, 1], strides = [1, 1]} : vector<300x8xf32> to vector<300x1xf32>
    %slice3A_261 = vector.extract_strided_slice %logistic3A_259 {offsets = [0, 1], sizes = [300, 1], strides = [1, 1]} : vector<300x8xf32> to vector<300x1xf32>
    %get3A_262 = arith.constant 0 : index
    %get3A_263 = arith.constant 0 : index
    %get3A_264 = vector.load %arg10[%get3A_262, %get3A_263] : memref<256x32xf32, #tpu.memory_space<vmem>>, vector<256x32xf32>
    %dot_general3A_265 = arith.constant dense<0.000000e+00> : vector<300x32xf32>
    %dot_general3A_266 = tpu.matmul %add3A_239, %get3A_264, %dot_general3A_265 {dimension_numbers = #tpu.dot_dimension_numbers<[1], [0], [0], [1], [0, 0, 1, 1], [], []>, transpose_lhs_hint = false} : vector<300x256xf32>, vector<256x32xf32>, vector<300x32xf32> -> vector<300x32xf32>
    %get3A_267 = arith.constant 0 : index
    %get3A_268 = vector.load %arg11[%get3A_267] : memref<32xf32, #tpu.memory_space<vmem>>, vector<32xf32>
    %broadcast_in_dim3A_269 = vector.shape_cast %get3A_268 : vector<32xf32> to vector<1x32xf32>
    %add3A_270 = vector.broadcast %broadcast_in_dim3A_269 : vector<1x32xf32> to vector<300x32xf32>
    %add3A_271 = arith.addf %dot_general3A_266, %add3A_270 : vector<300x32xf32>
    %get3A_272 = arith.constant 0 : index
    %get3A_273 = arith.constant 0 : index
    %get3A_274 = vector.load %arg12[%get3A_272, %get3A_273] : memref<256x32xf32, #tpu.memory_space<vmem>>, vector<256x32xf32>
    %dot_general3A_275 = arith.constant dense<0.000000e+00> : vector<300x32xf32>
    %dot_general3A_276 = tpu.matmul %add3A_239, %get3A_274, %dot_general3A_275 {dimension_numbers = #tpu.dot_dimension_numbers<[1], [0], [0], [1], [0, 0, 1, 1], [], []>, transpose_lhs_hint = false} : vector<300x256xf32>, vector<256x32xf32>, vector<300x32xf32> -> vector<300x32xf32>
    %get3A_277 = arith.constant 0 : index
    %get3A_278 = vector.load %arg13[%get3A_277] : memref<32xf32, #tpu.memory_space<vmem>>, vector<32xf32>
    %broadcast_in_dim3A_279 = vector.shape_cast %get3A_278 : vector<32xf32> to vector<1x32xf32>
    %add3A_280 = vector.broadcast %broadcast_in_dim3A_279 : vector<1x32xf32> to vector<300x32xf32>
    %add3A_281 = arith.addf %dot_general3A_276, %add3A_280 : vector<300x32xf32>
    %get3A_282 = arith.constant 0 : index
    %get3A_283 = arith.constant 0 : index
    %get3A_284 = vector.load %arg14[%get3A_282, %get3A_283] : memref<256x32xf32, #tpu.memory_space<vmem>>, vector<256x32xf32>
    %dot_general3A_285 = arith.constant dense<0.000000e+00> : vector<300x32xf32>
    %dot_general3A_286 = tpu.matmul %add3A_239, %get3A_284, %dot_general3A_285 {dimension_numbers = #tpu.dot_dimension_numbers<[1], [0], [0], [1], [0, 0, 1, 1], [], []>, transpose_lhs_hint = false} : vector<300x256xf32>, vector<256x32xf32>, vector<300x32xf32> -> vector<300x32xf32>
    %get3A_287 = arith.constant 0 : index
    %get3A_288 = vector.load %arg15[%get3A_287] : memref<32xf32, #tpu.memory_space<vmem>>, vector<32xf32>
    %broadcast_in_dim3A_289 = vector.shape_cast %get3A_288 : vector<32xf32> to vector<1x32xf32>
    %add3A_290 = vector.broadcast %broadcast_in_dim3A_289 : vector<1x32xf32> to vector<300x32xf32>
    %add3A_291 = arith.addf %dot_general3A_286, %add3A_290 : vector<300x32xf32>
    %slice3A_292 = vector.extract_strided_slice %add3A_291 {offsets = [0, 0], sizes = [300, 8], strides = [1, 1]} : vector<300x32xf32> to vector<300x8xf32>
    %slice3A_293 = vector.extract_strided_slice %add3A_291 {offsets = [0, 8], sizes = [300, 8], strides = [1, 1]} : vector<300x32xf32> to vector<300x8xf32>
    %slice3A_294 = vector.extract_strided_slice %add3A_291 {offsets = [0, 16], sizes = [300, 8], strides = [1, 1]} : vector<300x32xf32> to vector<300x8xf32>
    %slice3A_295 = vector.extract_strided_slice %add3A_291 {offsets = [0, 24], sizes = [300, 8], strides = [1, 1]} : vector<300x32xf32> to vector<300x8xf32>
    %max3A_296 = arith.maximumf %slice3A_292, %slice3A_293 : vector<300x8xf32>
    %max3A_297 = arith.maximumf %slice3A_294, %slice3A_295 : vector<300x8xf32>
    %max3A_298 = arith.maximumf %max3A_296, %max3A_297 : vector<300x8xf32>
    %sub3A_299 = arith.subf %slice3A_292, %max3A_298 : vector<300x8xf32>
    %exp3A_300 = math.exp %sub3A_299 : vector<300x8xf32>
    %sub3A_301 = arith.subf %slice3A_293, %max3A_298 : vector<300x8xf32>
    %exp3A_302 = math.exp %sub3A_301 : vector<300x8xf32>
    %sub3A_303 = arith.subf %slice3A_294, %max3A_298 : vector<300x8xf32>
    %exp3A_304 = math.exp %sub3A_303 : vector<300x8xf32>
    %sub3A_305 = arith.subf %slice3A_295, %max3A_298 : vector<300x8xf32>
    %exp3A_306 = math.exp %sub3A_305 : vector<300x8xf32>
    %add3A_307 = arith.addf %exp3A_300, %exp3A_302 : vector<300x8xf32>
    %add3A_308 = arith.addf %add3A_307, %exp3A_304 : vector<300x8xf32>
    %add3A_309 = arith.addf %add3A_308, %exp3A_306 : vector<300x8xf32>
    %div3A_310 = arith.divf %exp3A_300, %add3A_309 : vector<300x8xf32>
    %div3A_311 = arith.divf %exp3A_302, %add3A_309 : vector<300x8xf32>
    %div3A_312 = arith.divf %exp3A_304, %add3A_309 : vector<300x8xf32>
    %div3A_313 = arith.divf %exp3A_306, %add3A_309 : vector<300x8xf32>
    %concatenate3A_314 = tpu.concatenate %div3A_310, %div3A_311, %div3A_312, %div3A_313 in 1 : vector<300x8xf32>, vector<300x8xf32>, vector<300x8xf32>, vector<300x8xf32> -> vector<300x32xf32>
    %add3A_315 = vector.broadcast %slice3A_260 : vector<300x1xf32> to vector<300x32xf32>
    %add3A_316 = arith.addf %add3A_315, %add3A_271 : vector<300x32xf32>
    %jit3A = arith.constant 0.000000e+00 : f32
    %jit3A_317 = arith.constant 1.000000e+00 : f32
    %max3A_318 = vector.broadcast %jit3A : f32 to vector<300x32xf32>
    %max3A_319 = arith.maximumf %max3A_318, %add3A_316 : vector<300x32xf32>
    %min3A = vector.broadcast %jit3A_317 : f32 to vector<300x32xf32>
    %min3A_320 = arith.minimumf %min3A, %max3A_319 : vector<300x32xf32>
    %mul3A_321 = arith.constant 3.100000e+01 : f32
    %mul3A_322 = vector.broadcast %mul3A_321 : f32 to vector<300x32xf32>
    %mul3A_323 = arith.mulf %min3A_320, %mul3A_322 : vector<300x32xf32>
    %add3A_324 = vector.broadcast %slice3A_261 : vector<300x1xf32> to vector<300x32xf32>
    %add3A_325 = arith.addf %add3A_324, %add3A_281 : vector<300x32xf32>
    %jit3A_326 = arith.constant 0.000000e+00 : f32
    %jit3A_327 = arith.constant 1.000000e+00 : f32
    %max3A_328 = vector.broadcast %jit3A_326 : f32 to vector<300x32xf32>
    %max3A_329 = arith.maximumf %max3A_328, %add3A_325 : vector<300x32xf32>
    %min3A_330 = vector.broadcast %jit3A_327 : f32 to vector<300x32xf32>
    %min3A_331 = arith.minimumf %min3A_330, %max3A_329 : vector<300x32xf32>
    %mul3A_332 = arith.constant 3.100000e+01 : f32
    %mul3A_333 = vector.broadcast %mul3A_332 : f32 to vector<300x32xf32>
    %mul3A_334 = arith.mulf %min3A_331, %mul3A_333 : vector<300x32xf32>
    %floor3A = math.floor %mul3A_323 : vector<300x32xf32>
    %jit3A_335 = arith.constant 0.000000e+00 : f32
    %jit3A_336 = arith.constant 31 : i32
    %max3A_337 = vector.broadcast %jit3A_335 : f32 to vector<300x32xf32>
    %max3A_338 = arith.maximumf %max3A_337, %floor3A : vector<300x32xf32>
    %convert_element_type3A = arith.sitofp %jit3A_336 : i32 to f32
    %min3A_339 = vector.broadcast %convert_element_type3A : f32 to vector<300x32xf32>
    %min3A_340 = arith.minimumf %min3A_339, %max3A_338 : vector<300x32xf32>
    %floor3A_341 = math.floor %mul3A_334 : vector<300x32xf32>
    %jit3A_342 = arith.constant 0.000000e+00 : f32
    %jit3A_343 = arith.constant 31 : i32
    %max3A_344 = vector.broadcast %jit3A_342 : f32 to vector<300x32xf32>
    %max3A_345 = arith.maximumf %max3A_344, %floor3A_341 : vector<300x32xf32>
    %convert_element_type3A_346 = arith.sitofp %jit3A_343 : i32 to f32
    %min3A_347 = vector.broadcast %convert_element_type3A_346 : f32 to vector<300x32xf32>
    %min3A_348 = arith.minimumf %min3A_347, %max3A_345 : vector<300x32xf32>
    %add3A_349 = arith.constant 1.000000e+00 : f32
    %add3A_350 = vector.broadcast %add3A_349 : f32 to vector<300x32xf32>
    %add3A_351 = arith.addf %min3A_340, %add3A_350 : vector<300x32xf32>
    %min3A_352 = arith.constant 3.100000e+01 : f32
    %min3A_353 = vector.broadcast %min3A_352 : f32 to vector<300x32xf32>
    %min3A_354 = arith.minimumf %add3A_351, %min3A_353 : vector<300x32xf32>
    %add3A_355 = arith.constant 1.000000e+00 : f32
    %add3A_356 = vector.broadcast %add3A_355 : f32 to vector<300x32xf32>
    %add3A_357 = arith.addf %min3A_348, %add3A_356 : vector<300x32xf32>
    %min3A_358 = arith.constant 3.100000e+01 : f32
    %min3A_359 = vector.broadcast %min3A_358 : f32 to vector<300x32xf32>
    %min3A_360 = arith.minimumf %add3A_357, %min3A_359 : vector<300x32xf32>
    %sub3A_361 = arith.subf %mul3A_323, %min3A_340 : vector<300x32xf32>
    %sub3A_362 = arith.constant 1.000000e+00 : f32
    %sub3A_363 = vector.broadcast %sub3A_362 : f32 to vector<300x32xf32>
    %sub3A_364 = arith.subf %sub3A_363, %sub3A_361 : vector<300x32xf32>
    %sub3A_365 = arith.subf %mul3A_334, %min3A_348 : vector<300x32xf32>
    %sub3A_366 = arith.constant 1.000000e+00 : f32
    %sub3A_367 = vector.broadcast %sub3A_366 : f32 to vector<300x32xf32>
    %sub3A_368 = arith.subf %sub3A_367, %sub3A_365 : vector<300x32xf32>
    %convert_element_type3A_369 = arith.fptosi %min3A_340 : vector<300x32xf32> to vector<300x32xi32>
    %convert_element_type3A_370 = arith.fptosi %min3A_354 : vector<300x32xf32> to vector<300x32xi32>
    %convert_element_type3A_371 = arith.fptosi %min3A_348 : vector<300x32xf32> to vector<300x32xi32>
    %convert_element_type3A_372 = arith.fptosi %min3A_360 : vector<300x32xf32> to vector<300x32xi32>
    %mul3A_373 = arith.mulf %sub3A_364, %sub3A_368 : vector<300x32xf32>
    %mul3A_374 = arith.mulf %sub3A_364, %sub3A_365 : vector<300x32xf32>
    %mul3A_375 = arith.mulf %sub3A_361, %sub3A_368 : vector<300x32xf32>
    %mul3A_376 = arith.mulf %sub3A_361, %sub3A_365 : vector<300x32xf32>
    %mul3A_377 = arith.constant 32 : i32
    %mul3A_378 = vector.broadcast %mul3A_377 : i32 to vector<300x32xi32>
    %mul3A_379 = arith.muli %convert_element_type3A_371, %mul3A_378 : vector<300x32xi32>
    %add3A_380 = arith.addi %mul3A_379, %convert_element_type3A_369 : vector<300x32xi32>
    %swap3A_381 = arith.constant 0 : index
    %swap3A_382 = arith.constant 0 : index
    %swap3A_383 = arith.constant 0 : index
    %swap3A_384 = arith.constant 0 : index
    %swap3A_385 = vector.load %arg17[%swap3A_381, %swap3A_382, %swap3A_383, %swap3A_384] : memref<1x4x300x32xi32, #tpu.memory_space<vmem>>, vector<1x1x300x32xi32>
    %swap3A_386 = vector.shape_cast %swap3A_385 : vector<1x1x300x32xi32> to vector<300x32xi32>
    %swap3A_387 = vector.shape_cast %add3A_380 : vector<300x32xi32> to vector<1x1x300x32xi32>
    tpu.vector_store %arg17[%swap3A_381, %swap3A_382, %swap3A_383, %swap3A_384], %swap3A_387 {strides = array<i32>} : memref<1x4x300x32xi32, #tpu.memory_space<vmem>>, vector<1x1x300x32xi32>,
    %mul3A_388 = arith.mulf %concatenate3A_314, %mul3A_373 : vector<300x32xf32>
    %swap3A_389 = arith.constant 0 : index
    %swap3A_390 = arith.constant 0 : index
    %swap3A_391 = arith.constant 0 : index
    %swap3A_392 = arith.constant 0 : index
    %swap3A_393 = vector.load %arg18[%swap3A_389, %swap3A_390, %swap3A_391, %swap3A_392] : memref<1x4x300x32xf32, #tpu.memory_space<vmem>>, vector<1x1x300x32xf32>
    %swap3A_394 = vector.shape_cast %swap3A_393 : vector<1x1x300x32xf32> to vector<300x32xf32>
    %swap3A_395 = vector.shape_cast %mul3A_388 : vector<300x32xf32> to vector<1x1x300x32xf32>
    tpu.vector_store %arg18[%swap3A_389, %swap3A_390, %swap3A_391, %swap3A_392], %swap3A_395 {strides = array<i32>} : memref<1x4x300x32xf32, #tpu.memory_space<vmem>>, vector<1x1x300x32xf32>,
    %mul3A_396 = arith.constant 32 : i32
    %mul3A_397 = vector.broadcast %mul3A_396 : i32 to vector<300x32xi32>
    %mul3A_398 = arith.muli %convert_element_type3A_372, %mul3A_397 : vector<300x32xi32>
    %add3A_399 = arith.addi %mul3A_398, %convert_element_type3A_369 : vector<300x32xi32>
    %swap3A_400 = arith.constant 0 : index
    %swap3A_401 = arith.constant 1 : index
    %swap3A_402 = arith.constant 0 : index
    %swap3A_403 = arith.constant 0 : index
    %swap3A_404 = vector.load %arg17[%swap3A_400, %swap3A_401, %swap3A_402, %swap3A_403] : memref<1x4x300x32xi32, #tpu.memory_space<vmem>>, vector<1x1x300x32xi32>
    %swap3A_405 = vector.shape_cast %swap3A_404 : vector<1x1x300x32xi32> to vector<300x32xi32>
    %swap3A_406 = vector.shape_cast %add3A_399 : vector<300x32xi32> to vector<1x1x300x32xi32>
    tpu.vector_store %arg17[%swap3A_400, %swap3A_401, %swap3A_402, %swap3A_403], %swap3A_406 {strides = array<i32>} : memref<1x4x300x32xi32, #tpu.memory_space<vmem>>, vector<1x1x300x32xi32>,
    %mul3A_407 = arith.mulf %concatenate3A_314, %mul3A_374 : vector<300x32xf32>
    %swap3A_408 = arith.constant 0 : index
    %swap3A_409 = arith.constant 1 : index
    %swap3A_410 = arith.constant 0 : index
    %swap3A_411 = arith.constant 0 : index
    %swap3A_412 = vector.load %arg18[%swap3A_408, %swap3A_409, %swap3A_410, %swap3A_411] : memref<1x4x300x32xf32, #tpu.memory_space<vmem>>, vector<1x1x300x32xf32>
    %swap3A_413 = vector.shape_cast %swap3A_412 : vector<1x1x300x32xf32> to vector<300x32xf32>
    %swap3A_414 = vector.shape_cast %mul3A_407 : vector<300x32xf32> to vector<1x1x300x32xf32>
    tpu.vector_store %arg18[%swap3A_408, %swap3A_409, %swap3A_410, %swap3A_411], %swap3A_414 {strides = array<i32>} : memref<1x4x300x32xf32, #tpu.memory_space<vmem>>, vector<1x1x300x32xf32>,
    %mul3A_415 = arith.constant 32 : i32
    %mul3A_416 = vector.broadcast %mul3A_415 : i32 to vector<300x32xi32>
    %mul3A_417 = arith.muli %convert_element_type3A_371, %mul3A_416 : vector<300x32xi32>
    %add3A_418 = arith.addi %mul3A_417, %convert_element_type3A_370 : vector<300x32xi32>
    %swap3A_419 = arith.constant 0 : index
    %swap3A_420 = arith.constant 2 : index
    %swap3A_421 = arith.constant 0 : index
    %swap3A_422 = arith.constant 0 : index
    %swap3A_423 = vector.load %arg17[%swap3A_419, %swap3A_420, %swap3A_421, %swap3A_422] : memref<1x4x300x32xi32, #tpu.memory_space<vmem>>, vector<1x1x300x32xi32>
    %swap3A_424 = vector.shape_cast %swap3A_423 : vector<1x1x300x32xi32> to vector<300x32xi32>
    %swap3A_425 = vector.shape_cast %add3A_418 : vector<300x32xi32> to vector<1x1x300x32xi32>
    tpu.vector_store %arg17[%swap3A_419, %swap3A_420, %swap3A_421, %swap3A_422], %swap3A_425 {strides = array<i32>} : memref<1x4x300x32xi32, #tpu.memory_space<vmem>>, vector<1x1x300x32xi32>,
    %mul3A_426 = arith.mulf %concatenate3A_314, %mul3A_375 : vector<300x32xf32>
    %swap3A_427 = arith.constant 0 : index
    %swap3A_428 = arith.constant 2 : index
    %swap3A_429 = arith.constant 0 : index
    %swap3A_430 = arith.constant 0 : index
    %swap3A_431 = vector.load %arg18[%swap3A_427, %swap3A_428, %swap3A_429, %swap3A_430] : memref<1x4x300x32xf32, #tpu.memory_space<vmem>>, vector<1x1x300x32xf32>
    %swap3A_432 = vector.shape_cast %swap3A_431 : vector<1x1x300x32xf32> to vector<300x32xf32>
    %swap3A_433 = vector.shape_cast %mul3A_426 : vector<300x32xf32> to vector<1x1x300x32xf32>
    tpu.vector_store %arg18[%swap3A_427, %swap3A_428, %swap3A_429, %swap3A_430], %swap3A_433 {strides = array<i32>} : memref<1x4x300x32xf32, #tpu.memory_space<vmem>>, vector<1x1x300x32xf32>,
    %mul3A_434 = arith.constant 32 : i32
    %mul3A_435 = vector.broadcast %mul3A_434 : i32 to vector<300x32xi32>
    %mul3A_436 = arith.muli %convert_element_type3A_372, %mul3A_435 : vector<300x32xi32>
    %add3A_437 = arith.addi %mul3A_436, %convert_element_type3A_370 : vector<300x32xi32>
    %swap3A_438 = arith.constant 0 : index
    %swap3A_439 = arith.constant 3 : index
    %swap3A_440 = arith.constant 0 : index
    %swap3A_441 = arith.constant 0 : index
    %swap3A_442 = vector.load %arg17[%swap3A_438, %swap3A_439, %swap3A_440, %swap3A_441] : memref<1x4x300x32xi32, #tpu.memory_space<vmem>>, vector<1x1x300x32xi32>
    %swap3A_443 = vector.shape_cast %swap3A_442 : vector<1x1x300x32xi32> to vector<300x32xi32>
    %swap3A_444 = vector.shape_cast %add3A_437 : vector<300x32xi32> to vector<1x1x300x32xi32>
    tpu.vector_store %arg17[%swap3A_438, %swap3A_439, %swap3A_440, %swap3A_441], %swap3A_444 {strides = array<i32>} : memref<1x4x300x32xi32, #tpu.memory_space<vmem>>, vector<1x1x300x32xi32>,
    %mul3A_445 = arith.mulf %concatenate3A_314, %mul3A_376 : vector<300x32xf32>
    %swap3A_446 = arith.constant 0 : index
    %swap3A_447 = arith.constant 3 : index
    %swap3A_448 = arith.constant 0 : index
    %swap3A_449 = arith.constant 0 : index
    %swap3A_450 = vector.load %arg18[%swap3A_446, %swap3A_447, %swap3A_448, %swap3A_449] : memref<1x4x300x32xf32, #tpu.memory_space<vmem>>, vector<1x1x300x32xf32>
    %swap3A_451 = vector.shape_cast %swap3A_450 : vector<1x1x300x32xf32> to vector<300x32xf32>
    %swap3A_452 = vector.shape_cast %mul3A_445 : vector<300x32xf32> to vector<1x1x300x32xf32>
    tpu.vector_store %arg18[%swap3A_446, %swap3A_447, %swap3A_448, %swap3A_449], %swap3A_452 {strides = array<i32>} : memref<1x4x300x32xf32, #tpu.memory_space<vmem>>, vector<1x1x300x32xf32>,
    return
  }
  func.func @transform_0(%arg0: i32) -> (i32, i32, i32) {
    %c0_i32 = arith.constant 0 : i32
    %c0_i32_0 = arith.constant 0 : i32
    %c0_i32_1 = arith.constant 0 : i32
    return %arg0, %c0_i32, %c0_i32_0 : i32, i32, i32
  }
  func.func @transform_1(%arg0: i32) -> (i32, i32) {
    %c0_i32 = arith.constant 0 : i32
    %c0_i32_0 = arith.constant 0 : i32
    %c0_i32_1 = arith.constant 0 : i32
    return %c0_i32, %c0_i32_0 : i32, i32
  }
  func.func @transform_2(%arg0: i32) -> i32 {
    %c0_i32 = arith.constant 0 : i32
    %c0_i32_0 = arith.constant 0 : i32
    return %c0_i32 : i32
  }
  func.func @transform_3(%arg0: i32) -> (i32, i32) {
    %c0_i32 = arith.constant 0 : i32
    %c0_i32_0 = arith.constant 0 : i32
    %c0_i32_1 = arith.constant 0 : i32
    return %c0_i32, %c0_i32_0 : i32, i32
  }
  func.func @transform_4(%arg0: i32) -> i32 {
    %c0_i32 = arith.constant 0 : i32
    %c0_i32_0 = arith.constant 0 : i32
    return %c0_i32 : i32
  }
  func.func @transform_5(%arg0: i32) -> i32 {
    %c0_i32 = arith.constant 0 : i32
    %c0_i32_0 = arith.constant 0 : i32
    return %c0_i32 : i32
  }
  func.func @transform_6(%arg0: i32) -> i32 {
    %c0_i32 = arith.constant 0 : i32
    %c0_i32_0 = arith.constant 0 : i32
    return %c0_i32 : i32
  }
  func.func @transform_7(%arg0: i32) -> (i32, i32) {
    %c0_i32 = arith.constant 0 : i32
    %c0_i32_0 = arith.constant 0 : i32
    %c0_i32_1 = arith.constant 0 : i32
    return %c0_i32, %c0_i32_0 : i32, i32
  }
  func.func @transform_8(%arg0: i32) -> i32 {
    %c0_i32 = arith.constant 0 : i32
    %c0_i32_0 = arith.constant 0 : i32
    return %c0_i32 : i32
  }
  func.func @transform_9(%arg0: i32) -> (i32, i32) {
    %c0_i32 = arith.constant 0 : i32
    %c0_i32_0 = arith.constant 0 : i32
    %c0_i32_1 = arith.constant 0 : i32
    return %c0_i32, %c0_i32_0 : i32, i32
  }
  func.func @transform_10(%arg0: i32) -> i32 {
    %c0_i32 = arith.constant 0 : i32
    %c0_i32_0 = arith.constant 0 : i32
    return %c0_i32 : i32
  }
  func.func @transform_11(%arg0: i32) -> (i32, i32) {
    %c0_i32 = arith.constant 0 : i32
    %c0_i32_0 = arith.constant 0 : i32
    %c0_i32_1 = arith.constant 0 : i32
    return %c0_i32, %c0_i32_0 : i32, i32
  }
  func.func @transform_12(%arg0: i32) -> i32 {
    %c0_i32 = arith.constant 0 : i32
    %c0_i32_0 = arith.constant 0 : i32
    return %c0_i32 : i32
  }
  func.func @transform_13(%arg0: i32) -> (i32, i32) {
    %c0_i32 = arith.constant 0 : i32
    %c0_i32_0 = arith.constant 0 : i32
    %c0_i32_1 = arith.constant 0 : i32
    return %c0_i32, %c0_i32_0 : i32, i32
  }
  func.func @transform_14(%arg0: i32) -> i32 {
    %c0_i32 = arith.constant 0 : i32
    %c0_i32_0 = arith.constant 0 : i32
    return %c0_i32 : i32
  }
  func.func @transform_15(%arg0: i32) -> (i32, i32, i32) {
    %c0_i32 = arith.constant 0 : i32
    %c0_i32_0 = arith.constant 0 : i32
    %c0_i32_1 = arith.constant 0 : i32
    return %arg0, %c0_i32, %c0_i32_0 : i32, i32, i32
  }
  func.func @transform_16(%arg0: i32) -> (i32, i32, i32, i32) {
    %c0_i32 = arith.constant 0 : i32
    %c0_i32_0 = arith.constant 0 : i32
    %c0_i32_1 = arith.constant 0 : i32
    %c0_i32_2 = arith.constant 0 : i32
    return %arg0, %c0_i32, %c0_i32_0, %c0_i32_1 : i32, i32, i32, i32
  }
  func.func @transform_17(%arg0: i32) -> (i32, i32, i32, i32) {
    %c0_i32 = arith.constant 0 : i32
    %c0_i32_0 = arith.constant 0 : i32
    %c0_i32_1 = arith.constant 0 : i32
    %c0_i32_2 = arith.constant 0 : i32
    return %arg0, %c0_i32, %c0_i32_0, %c0_i32_1 : i32, i32, i32, i32
  }
}

module attributes {stable_mosaic.version = 14 : i64} {
  func.func @_k2_body(%arg0: i32, %arg1: memref<1x1024x256xf32, #tpu.memory_space<vmem>>, %arg2: memref<256x256xf32, #tpu.memory_space<vmem>>, %arg3: memref<256xf32, #tpu.memory_space<vmem>>, %arg4: memref<1x8x1024x32xf32, #tpu.memory_space<vmem>>) attributes {dimension_semantics = [#tpu.dimension_semantics<arbitrary>], iteration_bounds = array<i64: 4>, scalar_prefetch = 0 : i64, scratch_operands = 0 : i64, tpu.core_type = #tpu.core_type<tc>, window_params = [{transform_indices = @transform_0, window_bounds = array<i64: 1, 1024, 256>}, {pipeline_mode = #tpu.pipeline_mode<synchronous>, transform_indices = @transform_1, window_bounds = array<i64: 256, 256>}, {pipeline_mode = #tpu.pipeline_mode<synchronous>, transform_indices = @transform_2, window_bounds = array<i64: 256>}, {transform_indices = @transform_3, window_bounds = array<i64: 1, 8, 1024, 32>}]} {
    %get3A = arith.constant 0 : index
    %get3A_0 = arith.constant 0 : index
    %get3A_1 = arith.constant 0 : index
    %get3A_2 = vector.load %arg1[%get3A, %get3A_0, %get3A_1] : memref<1x1024x256xf32, #tpu.memory_space<vmem>>, vector<1x1024x256xf32>
    %get3A_3 = vector.shape_cast %get3A_2 : vector<1x1024x256xf32> to vector<1024x256xf32>
    %get3A_4 = arith.constant 0 : index
    %get3A_5 = arith.constant 0 : index
    %get3A_6 = vector.load %arg2[%get3A_4, %get3A_5] : memref<256x256xf32, #tpu.memory_space<vmem>>, vector<256x256xf32>
    %dot_general3A = arith.constant dense<0.000000e+00> : vector<1024x256xf32>
    %dot_general3A_7 = tpu.matmul %get3A_3, %get3A_6, %dot_general3A {dimension_numbers = #tpu.dot_dimension_numbers<[1], [0], [0], [1], [0, 0, 1, 1], [], []>, transpose_lhs_hint = false} : vector<1024x256xf32>, vector<256x256xf32>, vector<1024x256xf32> -> vector<1024x256xf32>
    %get3A_8 = arith.constant 0 : index
    %get3A_9 = vector.load %arg3[%get3A_8] : memref<256xf32, #tpu.memory_space<vmem>>, vector<256xf32>
    %broadcast_in_dim3A = vector.shape_cast %get3A_9 : vector<256xf32> to vector<1x256xf32>
    %add3A = vector.broadcast %broadcast_in_dim3A : vector<1x256xf32> to vector<1024x256xf32>
    %add3A_10 = arith.addf %dot_general3A_7, %add3A : vector<1024x256xf32>
    %slice3A = vector.extract_strided_slice %add3A_10 {offsets = [0, 0], sizes = [1024, 32], strides = [1, 1]} : vector<1024x256xf32> to vector<1024x32xf32>
    %swap3A = arith.constant 0 : index
    %swap3A_11 = arith.constant 0 : index
    %swap3A_12 = arith.constant 0 : index
    %swap3A_13 = arith.constant 0 : index
    %swap3A_14 = vector.load %arg4[%swap3A, %swap3A_11, %swap3A_12, %swap3A_13] : memref<1x8x1024x32xf32, #tpu.memory_space<vmem>>, vector<1x1x1024x32xf32>
    %swap3A_15 = vector.shape_cast %swap3A_14 : vector<1x1x1024x32xf32> to vector<1024x32xf32>
    %swap3A_16 = vector.shape_cast %slice3A : vector<1024x32xf32> to vector<1x1x1024x32xf32>
    tpu.vector_store %arg4[%swap3A, %swap3A_11, %swap3A_12, %swap3A_13], %swap3A_16 {strides = array<i32>} : memref<1x8x1024x32xf32, #tpu.memory_space<vmem>>, vector<1x1x1024x32xf32>,
    %slice3A_17 = vector.extract_strided_slice %add3A_10 {offsets = [0, 32], sizes = [1024, 32], strides = [1, 1]} : vector<1024x256xf32> to vector<1024x32xf32>
    %swap3A_18 = arith.constant 0 : index
    %swap3A_19 = arith.constant 1 : index
    %swap3A_20 = arith.constant 0 : index
    %swap3A_21 = arith.constant 0 : index
    %swap3A_22 = vector.load %arg4[%swap3A_18, %swap3A_19, %swap3A_20, %swap3A_21] : memref<1x8x1024x32xf32, #tpu.memory_space<vmem>>, vector<1x1x1024x32xf32>
    %swap3A_23 = vector.shape_cast %swap3A_22 : vector<1x1x1024x32xf32> to vector<1024x32xf32>
    %swap3A_24 = vector.shape_cast %slice3A_17 : vector<1024x32xf32> to vector<1x1x1024x32xf32>
    tpu.vector_store %arg4[%swap3A_18, %swap3A_19, %swap3A_20, %swap3A_21], %swap3A_24 {strides = array<i32>} : memref<1x8x1024x32xf32, #tpu.memory_space<vmem>>, vector<1x1x1024x32xf32>,
    %slice3A_25 = vector.extract_strided_slice %add3A_10 {offsets = [0, 64], sizes = [1024, 32], strides = [1, 1]} : vector<1024x256xf32> to vector<1024x32xf32>
    %swap3A_26 = arith.constant 0 : index
    %swap3A_27 = arith.constant 2 : index
    %swap3A_28 = arith.constant 0 : index
    %swap3A_29 = arith.constant 0 : index
    %swap3A_30 = vector.load %arg4[%swap3A_26, %swap3A_27, %swap3A_28, %swap3A_29] : memref<1x8x1024x32xf32, #tpu.memory_space<vmem>>, vector<1x1x1024x32xf32>
    %swap3A_31 = vector.shape_cast %swap3A_30 : vector<1x1x1024x32xf32> to vector<1024x32xf32>
    %swap3A_32 = vector.shape_cast %slice3A_25 : vector<1024x32xf32> to vector<1x1x1024x32xf32>
    tpu.vector_store %arg4[%swap3A_26, %swap3A_27, %swap3A_28, %swap3A_29], %swap3A_32 {strides = array<i32>} : memref<1x8x1024x32xf32, #tpu.memory_space<vmem>>, vector<1x1x1024x32xf32>,
    %slice3A_33 = vector.extract_strided_slice %add3A_10 {offsets = [0, 96], sizes = [1024, 32], strides = [1, 1]} : vector<1024x256xf32> to vector<1024x32xf32>
    %swap3A_34 = arith.constant 0 : index
    %swap3A_35 = arith.constant 3 : index
    %swap3A_36 = arith.constant 0 : index
    %swap3A_37 = arith.constant 0 : index
    %swap3A_38 = vector.load %arg4[%swap3A_34, %swap3A_35, %swap3A_36, %swap3A_37] : memref<1x8x1024x32xf32, #tpu.memory_space<vmem>>, vector<1x1x1024x32xf32>
    %swap3A_39 = vector.shape_cast %swap3A_38 : vector<1x1x1024x32xf32> to vector<1024x32xf32>
    %swap3A_40 = vector.shape_cast %slice3A_33 : vector<1024x32xf32> to vector<1x1x1024x32xf32>
    tpu.vector_store %arg4[%swap3A_34, %swap3A_35, %swap3A_36, %swap3A_37], %swap3A_40 {strides = array<i32>} : memref<1x8x1024x32xf32, #tpu.memory_space<vmem>>, vector<1x1x1024x32xf32>,
    %slice3A_41 = vector.extract_strided_slice %add3A_10 {offsets = [0, 128], sizes = [1024, 32], strides = [1, 1]} : vector<1024x256xf32> to vector<1024x32xf32>
    %swap3A_42 = arith.constant 0 : index
    %swap3A_43 = arith.constant 4 : index
    %swap3A_44 = arith.constant 0 : index
    %swap3A_45 = arith.constant 0 : index
    %swap3A_46 = vector.load %arg4[%swap3A_42, %swap3A_43, %swap3A_44, %swap3A_45] : memref<1x8x1024x32xf32, #tpu.memory_space<vmem>>, vector<1x1x1024x32xf32>
    %swap3A_47 = vector.shape_cast %swap3A_46 : vector<1x1x1024x32xf32> to vector<1024x32xf32>
    %swap3A_48 = vector.shape_cast %slice3A_41 : vector<1024x32xf32> to vector<1x1x1024x32xf32>
    tpu.vector_store %arg4[%swap3A_42, %swap3A_43, %swap3A_44, %swap3A_45], %swap3A_48 {strides = array<i32>} : memref<1x8x1024x32xf32, #tpu.memory_space<vmem>>, vector<1x1x1024x32xf32>,
    %slice3A_49 = vector.extract_strided_slice %add3A_10 {offsets = [0, 160], sizes = [1024, 32], strides = [1, 1]} : vector<1024x256xf32> to vector<1024x32xf32>
    %swap3A_50 = arith.constant 0 : index
    %swap3A_51 = arith.constant 5 : index
    %swap3A_52 = arith.constant 0 : index
    %swap3A_53 = arith.constant 0 : index
    %swap3A_54 = vector.load %arg4[%swap3A_50, %swap3A_51, %swap3A_52, %swap3A_53] : memref<1x8x1024x32xf32, #tpu.memory_space<vmem>>, vector<1x1x1024x32xf32>
    %swap3A_55 = vector.shape_cast %swap3A_54 : vector<1x1x1024x32xf32> to vector<1024x32xf32>
    %swap3A_56 = vector.shape_cast %slice3A_49 : vector<1024x32xf32> to vector<1x1x1024x32xf32>
    tpu.vector_store %arg4[%swap3A_50, %swap3A_51, %swap3A_52, %swap3A_53], %swap3A_56 {strides = array<i32>} : memref<1x8x1024x32xf32, #tpu.memory_space<vmem>>, vector<1x1x1024x32xf32>,
    %slice3A_57 = vector.extract_strided_slice %add3A_10 {offsets = [0, 192], sizes = [1024, 32], strides = [1, 1]} : vector<1024x256xf32> to vector<1024x32xf32>
    %swap3A_58 = arith.constant 0 : index
    %swap3A_59 = arith.constant 6 : index
    %swap3A_60 = arith.constant 0 : index
    %swap3A_61 = arith.constant 0 : index
    %swap3A_62 = vector.load %arg4[%swap3A_58, %swap3A_59, %swap3A_60, %swap3A_61] : memref<1x8x1024x32xf32, #tpu.memory_space<vmem>>, vector<1x1x1024x32xf32>
    %swap3A_63 = vector.shape_cast %swap3A_62 : vector<1x1x1024x32xf32> to vector<1024x32xf32>
    %swap3A_64 = vector.shape_cast %slice3A_57 : vector<1024x32xf32> to vector<1x1x1024x32xf32>
    tpu.vector_store %arg4[%swap3A_58, %swap3A_59, %swap3A_60, %swap3A_61], %swap3A_64 {strides = array<i32>} : memref<1x8x1024x32xf32, #tpu.memory_space<vmem>>, vector<1x1x1024x32xf32>,
    %slice3A_65 = vector.extract_strided_slice %add3A_10 {offsets = [0, 224], sizes = [1024, 32], strides = [1, 1]} : vector<1024x256xf32> to vector<1024x32xf32>
    %swap3A_66 = arith.constant 0 : index
    %swap3A_67 = arith.constant 7 : index
    %swap3A_68 = arith.constant 0 : index
    %swap3A_69 = arith.constant 0 : index
    %swap3A_70 = vector.load %arg4[%swap3A_66, %swap3A_67, %swap3A_68, %swap3A_69] : memref<1x8x1024x32xf32, #tpu.memory_space<vmem>>, vector<1x1x1024x32xf32>
    %swap3A_71 = vector.shape_cast %swap3A_70 : vector<1x1x1024x32xf32> to vector<1024x32xf32>
    %swap3A_72 = vector.shape_cast %slice3A_65 : vector<1024x32xf32> to vector<1x1x1024x32xf32>
    tpu.vector_store %arg4[%swap3A_66, %swap3A_67, %swap3A_68, %swap3A_69], %swap3A_72 {strides = array<i32>} : memref<1x8x1024x32xf32, #tpu.memory_space<vmem>>, vector<1x1x1024x32xf32>,
    return
  }
  func.func @transform_0(%arg0: i32) -> (i32, i32, i32) {
    %c0_i32 = arith.constant 0 : i32
    %c0_i32_0 = arith.constant 0 : i32
    %c0_i32_1 = arith.constant 0 : i32
    return %arg0, %c0_i32, %c0_i32_0 : i32, i32, i32
  }
  func.func @transform_1(%arg0: i32) -> (i32, i32) {
    %c0_i32 = arith.constant 0 : i32
    %c0_i32_0 = arith.constant 0 : i32
    %c0_i32_1 = arith.constant 0 : i32
    return %c0_i32, %c0_i32_0 : i32, i32
  }
  func.func @transform_2(%arg0: i32) -> i32 {
    %c0_i32 = arith.constant 0 : i32
    %c0_i32_0 = arith.constant 0 : i32
    return %c0_i32 : i32
  }
  func.func @transform_3(%arg0: i32) -> (i32, i32, i32, i32) {
    %c0_i32 = arith.constant 0 : i32
    %c0_i32_0 = arith.constant 0 : i32
    %c0_i32_1 = arith.constant 0 : i32
    %c0_i32_2 = arith.constant 0 : i32
    return %arg0, %c0_i32, %c0_i32_0, %c0_i32_1 : i32, i32, i32, i32
  }
}

module attributes {stable_mosaic.version = 14 : i64} {
  func.func @_k3_body(%arg0: i32, %arg1: memref<1x300x256xf32, #tpu.memory_space<vmem>>, %arg2: memref<1x300x256xf32, #tpu.memory_space<vmem>>, %arg3: memref<256x256xf32, #tpu.memory_space<vmem>>, %arg4: memref<256xf32, #tpu.memory_space<vmem>>, %arg5: memref<256xf32, #tpu.memory_space<vmem>>, %arg6: memref<256xf32, #tpu.memory_space<vmem>>, %arg7: memref<256x2048xf32, #tpu.memory_space<vmem>>, %arg8: memref<2048xf32, #tpu.memory_space<vmem>>, %arg9: memref<2048x256xf32, #tpu.memory_space<vmem>>, %arg10: memref<256xf32, #tpu.memory_space<vmem>>, %arg11: memref<256xf32, #tpu.memory_space<vmem>>, %arg12: memref<256xf32, #tpu.memory_space<vmem>>, %arg13: memref<1x300x256xf32, #tpu.memory_space<vmem>>) attributes {dimension_semantics = [#tpu.dimension_semantics<arbitrary>], iteration_bounds = array<i64: 4>, scalar_prefetch = 0 : i64, scratch_operands = 0 : i64, tpu.core_type = #tpu.core_type<tc>, window_params = [{transform_indices = @transform_0, window_bounds = array<i64: 1, 300, 256>}, {transform_indices = @transform_1, window_bounds = array<i64: 1, 300, 256>}, {pipeline_mode = #tpu.pipeline_mode<synchronous>, transform_indices = @transform_2, window_bounds = array<i64: 256, 256>}, {pipeline_mode = #tpu.pipeline_mode<synchronous>, transform_indices = @transform_3, window_bounds = array<i64: 256>}, {pipeline_mode = #tpu.pipeline_mode<synchronous>, transform_indices = @transform_4, window_bounds = array<i64: 256>}, {pipeline_mode = #tpu.pipeline_mode<synchronous>, transform_indices = @transform_5, window_bounds = array<i64: 256>}, {pipeline_mode = #tpu.pipeline_mode<synchronous>, transform_indices = @transform_6, window_bounds = array<i64: 256, 2048>}, {pipeline_mode = #tpu.pipeline_mode<synchronous>, transform_indices = @transform_7, window_bounds = array<i64: 2048>}, {pipeline_mode = #tpu.pipeline_mode<synchronous>, transform_indices = @transform_8, window_bounds = array<i64: 2048, 256>}, {pipeline_mode = #tpu.pipeline_mode<synchronous>, transform_indices = @transform_9, window_bounds = array<i64: 256>}, {pipeline_mode = #tpu.pipeline_mode<synchronous>, transform_indices = @transform_10, window_bounds = array<i64: 256>}, {pipeline_mode = #tpu.pipeline_mode<synchronous>, transform_indices = @transform_11, window_bounds = array<i64: 256>}, {transform_indices = @transform_12, window_bounds = array<i64: 1, 300, 256>}]} {
    %get3A = arith.constant 0 : index
    %get3A_0 = arith.constant 0 : index
    %get3A_1 = arith.constant 0 : index
    %get3A_2 = vector.load %arg2[%get3A, %get3A_0, %get3A_1] : memref<1x300x256xf32, #tpu.memory_space<vmem>>, vector<1x300x256xf32>
    %get3A_3 = vector.shape_cast %get3A_2 : vector<1x300x256xf32> to vector<300x256xf32>
    %get3A_4 = arith.constant 0 : index
    %get3A_5 = arith.constant 0 : index
    %get3A_6 = vector.load %arg3[%get3A_4, %get3A_5] : memref<256x256xf32, #tpu.memory_space<vmem>>, vector<256x256xf32>
    %dot_general3A = arith.constant dense<0.000000e+00> : vector<300x256xf32>
    %dot_general3A_7 = tpu.matmul %get3A_3, %get3A_6, %dot_general3A {dimension_numbers = #tpu.dot_dimension_numbers<[1], [0], [0], [1], [0, 0, 1, 1], [], []>, transpose_lhs_hint = false} : vector<300x256xf32>, vector<256x256xf32>, vector<300x256xf32> -> vector<300x256xf32>
    %get3A_8 = arith.constant 0 : index
    %get3A_9 = vector.load %arg4[%get3A_8] : memref<256xf32, #tpu.memory_space<vmem>>, vector<256xf32>
    %broadcast_in_dim3A = vector.shape_cast %get3A_9 : vector<256xf32> to vector<1x256xf32>
    %add3A = vector.broadcast %broadcast_in_dim3A : vector<1x256xf32> to vector<300x256xf32>
    %add3A_10 = arith.addf %dot_general3A_7, %add3A : vector<300x256xf32>
    %get3A_11 = arith.constant 0 : index
    %get3A_12 = arith.constant 0 : index
    %get3A_13 = arith.constant 0 : index
    %get3A_14 = vector.load %arg1[%get3A_11, %get3A_12, %get3A_13] : memref<1x300x256xf32, #tpu.memory_space<vmem>>, vector<1x300x256xf32>
    %get3A_15 = vector.shape_cast %get3A_14 : vector<1x300x256xf32> to vector<300x256xf32>
    %add3A_16 = arith.addf %get3A_15, %add3A_10 : vector<300x256xf32>
    %get3A_17 = arith.constant 0 : index
    %get3A_18 = vector.load %arg5[%get3A_17] : memref<256xf32, #tpu.memory_space<vmem>>, vector<256xf32>
    %get3A_19 = arith.constant 0 : index
    %get3A_20 = vector.load %arg6[%get3A_19] : memref<256xf32, #tpu.memory_space<vmem>>, vector<256xf32>
    %reduce_sum3A = arith.constant dense<0.000000e+00> : vector<300xf32>
    %reduce_sum3A_21 = vector.multi_reduction <add>, %add3A_16, %reduce_sum3A [1] : vector<300x256xf32> to vector<300xf32>
    %broadcast_in_dim3A_22 = vector.shape_cast %reduce_sum3A_21 : vector<300xf32> to vector<300x1xf32>
    %div3A = arith.constant 2.560000e+02 : f32
    %div3A_23 = vector.broadcast %div3A : f32 to vector<300x1xf32>
    %div3A_24 = arith.divf %broadcast_in_dim3A_22, %div3A_23 : vector<300x1xf32>
    %sub3A = vector.broadcast %div3A_24 : vector<300x1xf32> to vector<300x256xf32>
    %sub3A_25 = arith.subf %add3A_16, %sub3A : vector<300x256xf32>
    %integer_pow3A = arith.mulf %sub3A_25, %sub3A_25 : vector<300x256xf32>
    %reduce_sum3A_26 = arith.constant dense<0.000000e+00> : vector<300xf32>
    %reduce_sum3A_27 = vector.multi_reduction <add>, %integer_pow3A, %reduce_sum3A_26 [1] : vector<300x256xf32> to vector<300xf32>
    %broadcast_in_dim3A_28 = vector.shape_cast %reduce_sum3A_27 : vector<300xf32> to vector<300x1xf32>
    %div3A_29 = arith.constant 2.560000e+02 : f32
    %div3A_30 = vector.broadcast %div3A_29 : f32 to vector<300x1xf32>
    %div3A_31 = arith.divf %broadcast_in_dim3A_28, %div3A_30 : vector<300x1xf32>
    %sub3A_32 = vector.broadcast %div3A_24 : vector<300x1xf32> to vector<300x256xf32>
    %sub3A_33 = arith.subf %add3A_16, %sub3A_32 : vector<300x256xf32>
    %add3A_34 = arith.constant 9.99999974E-6 : f32
    %add3A_35 = vector.broadcast %add3A_34 : f32 to vector<300x1xf32>
    %add3A_36 = arith.addf %div3A_31, %add3A_35 : vector<300x1xf32>
    %sqrt3A = math.sqrt %add3A_36 : vector<300x1xf32>
    %div3A_37 = vector.broadcast %sqrt3A : vector<300x1xf32> to vector<300x256xf32>
    %div3A_38 = arith.divf %sub3A_33, %div3A_37 : vector<300x256xf32>
    %broadcast_in_dim3A_39 = vector.shape_cast %get3A_18 : vector<256xf32> to vector<1x256xf32>
    %mul3A = vector.broadcast %broadcast_in_dim3A_39 : vector<1x256xf32> to vector<300x256xf32>
    %mul3A_40 = arith.mulf %div3A_38, %mul3A : vector<300x256xf32>
    %broadcast_in_dim3A_41 = vector.shape_cast %get3A_20 : vector<256xf32> to vector<1x256xf32>
    %add3A_42 = vector.broadcast %broadcast_in_dim3A_41 : vector<1x256xf32> to vector<300x256xf32>
    %add3A_43 = arith.addf %mul3A_40, %add3A_42 : vector<300x256xf32>
    %get3A_44 = arith.constant 0 : index
    %get3A_45 = arith.constant 0 : index
    %get3A_46 = vector.load %arg7[%get3A_44, %get3A_45] : memref<256x2048xf32, #tpu.memory_space<vmem>>, vector<256x2048xf32>
    %dot_general3A_47 = arith.constant dense<0.000000e+00> : vector<300x2048xf32>
    %dot_general3A_48 = tpu.matmul %add3A_43, %get3A_46, %dot_general3A_47 {dimension_numbers = #tpu.dot_dimension_numbers<[1], [0], [0], [1], [0, 0, 1, 1], [], []>, transpose_lhs_hint = false} : vector<300x256xf32>, vector<256x2048xf32>, vector<300x2048xf32> -> vector<300x2048xf32>
    %get3A_49 = arith.constant 0 : index
    %get3A_50 = vector.load %arg8[%get3A_49] : memref<2048xf32, #tpu.memory_space<vmem>>, vector<2048xf32>
    %broadcast_in_dim3A_51 = vector.shape_cast %get3A_50 : vector<2048xf32> to vector<1x2048xf32>
    %add3A_52 = vector.broadcast %broadcast_in_dim3A_51 : vector<1x2048xf32> to vector<300x2048xf32>
    %add3A_53 = arith.addf %dot_general3A_48, %add3A_52 : vector<300x2048xf32>
    %max3A = arith.constant 0.000000e+00 : f32
    %max3A_54 = vector.broadcast %max3A : f32 to vector<300x2048xf32>
    %max3A_55 = arith.maximumf %add3A_53, %max3A_54 : vector<300x2048xf32>
    %get3A_56 = arith.constant 0 : index
    %get3A_57 = arith.constant 0 : index
    %get3A_58 = vector.load %arg9[%get3A_56, %get3A_57] : memref<2048x256xf32, #tpu.memory_space<vmem>>, vector<2048x256xf32>
    %dot_general3A_59 = arith.constant dense<0.000000e+00> : vector<300x256xf32>
    %dot_general3A_60 = tpu.matmul %max3A_55, %get3A_58, %dot_general3A_59 {dimension_numbers = #tpu.dot_dimension_numbers<[1], [0], [0], [1], [0, 0, 1, 1], [], []>, transpose_lhs_hint = false} : vector<300x2048xf32>, vector<2048x256xf32>, vector<300x256xf32> -> vector<300x256xf32>
    %get3A_61 = arith.constant 0 : index
    %get3A_62 = vector.load %arg10[%get3A_61] : memref<256xf32, #tpu.memory_space<vmem>>, vector<256xf32>
    %broadcast_in_dim3A_63 = vector.shape_cast %get3A_62 : vector<256xf32> to vector<1x256xf32>
    %add3A_64 = vector.broadcast %broadcast_in_dim3A_63 : vector<1x256xf32> to vector<300x256xf32>
    %add3A_65 = arith.addf %dot_general3A_60, %add3A_64 : vector<300x256xf32>
    %add3A_66 = arith.addf %add3A_43, %add3A_65 : vector<300x256xf32>
    %get3A_67 = arith.constant 0 : index
    %get3A_68 = vector.load %arg11[%get3A_67] : memref<256xf32, #tpu.memory_space<vmem>>, vector<256xf32>
    %get3A_69 = arith.constant 0 : index
    %get3A_70 = vector.load %arg12[%get3A_69] : memref<256xf32, #tpu.memory_space<vmem>>, vector<256xf32>
    %reduce_sum3A_71 = arith.constant dense<0.000000e+00> : vector<300xf32>
    %reduce_sum3A_72 = vector.multi_reduction <add>, %add3A_66, %reduce_sum3A_71 [1] : vector<300x256xf32> to vector<300xf32>
    %broadcast_in_dim3A_73 = vector.shape_cast %reduce_sum3A_72 : vector<300xf32> to vector<300x1xf32>
    %div3A_74 = arith.constant 2.560000e+02 : f32
    %div3A_75 = vector.broadcast %div3A_74 : f32 to vector<300x1xf32>
    %div3A_76 = arith.divf %broadcast_in_dim3A_73, %div3A_75 : vector<300x1xf32>
    %sub3A_77 = vector.broadcast %div3A_76 : vector<300x1xf32> to vector<300x256xf32>
    %sub3A_78 = arith.subf %add3A_66, %sub3A_77 : vector<300x256xf32>
    %integer_pow3A_79 = arith.mulf %sub3A_78, %sub3A_78 : vector<300x256xf32>
    %reduce_sum3A_80 = arith.constant dense<0.000000e+00> : vector<300xf32>
    %reduce_sum3A_81 = vector.multi_reduction <add>, %integer_pow3A_79, %reduce_sum3A_80 [1] : vector<300x256xf32> to vector<300xf32>
    %broadcast_in_dim3A_82 = vector.shape_cast %reduce_sum3A_81 : vector<300xf32> to vector<300x1xf32>
    %div3A_83 = arith.constant 2.560000e+02 : f32
    %div3A_84 = vector.broadcast %div3A_83 : f32 to vector<300x1xf32>
    %div3A_85 = arith.divf %broadcast_in_dim3A_82, %div3A_84 : vector<300x1xf32>
    %sub3A_86 = vector.broadcast %div3A_76 : vector<300x1xf32> to vector<300x256xf32>
    %sub3A_87 = arith.subf %add3A_66, %sub3A_86 : vector<300x256xf32>
    %add3A_88 = arith.constant 9.99999974E-6 : f32
    %add3A_89 = vector.broadcast %add3A_88 : f32 to vector<300x1xf32>
    %add3A_90 = arith.addf %div3A_85, %add3A_89 : vector<300x1xf32>
    %sqrt3A_91 = math.sqrt %add3A_90 : vector<300x1xf32>
    %div3A_92 = vector.broadcast %sqrt3A_91 : vector<300x1xf32> to vector<300x256xf32>
    %div3A_93 = arith.divf %sub3A_87, %div3A_92 : vector<300x256xf32>
    %broadcast_in_dim3A_94 = vector.shape_cast %get3A_68 : vector<256xf32> to vector<1x256xf32>
    %mul3A_95 = vector.broadcast %broadcast_in_dim3A_94 : vector<1x256xf32> to vector<300x256xf32>
    %mul3A_96 = arith.mulf %div3A_93, %mul3A_95 : vector<300x256xf32>
    %broadcast_in_dim3A_97 = vector.shape_cast %get3A_70 : vector<256xf32> to vector<1x256xf32>
    %add3A_98 = vector.broadcast %broadcast_in_dim3A_97 : vector<1x256xf32> to vector<300x256xf32>
    %add3A_99 = arith.addf %mul3A_96, %add3A_98 : vector<300x256xf32>
    %swap3A = arith.constant 0 : index
    %swap3A_100 = arith.constant 0 : index
    %swap3A_101 = arith.constant 0 : index
    %swap3A_102 = vector.load %arg13[%swap3A, %swap3A_100, %swap3A_101] : memref<1x300x256xf32, #tpu.memory_space<vmem>>, vector<1x300x256xf32>
    %swap3A_103 = vector.shape_cast %swap3A_102 : vector<1x300x256xf32> to vector<300x256xf32>
    %swap3A_104 = vector.shape_cast %add3A_99 : vector<300x256xf32> to vector<1x300x256xf32>
    tpu.vector_store %arg13[%swap3A, %swap3A_100, %swap3A_101], %swap3A_104 {strides = array<i32>} : memref<1x300x256xf32, #tpu.memory_space<vmem>>, vector<1x300x256xf32>,
    return
  }
  func.func @transform_0(%arg0: i32) -> (i32, i32, i32) {
    %c0_i32 = arith.constant 0 : i32
    %c0_i32_0 = arith.constant 0 : i32
    %c0_i32_1 = arith.constant 0 : i32
    return %arg0, %c0_i32, %c0_i32_0 : i32, i32, i32
  }
  func.func @transform_1(%arg0: i32) -> (i32, i32, i32) {
    %c0_i32 = arith.constant 0 : i32
    %c0_i32_0 = arith.constant 0 : i32
    %c0_i32_1 = arith.constant 0 : i32
    return %arg0, %c0_i32, %c0_i32_0 : i32, i32, i32
  }
  func.func @transform_2(%arg0: i32) -> (i32, i32) {
    %c0_i32 = arith.constant 0 : i32
    %c0_i32_0 = arith.constant 0 : i32
    %c0_i32_1 = arith.constant 0 : i32
    return %c0_i32, %c0_i32_0 : i32, i32
  }
  func.func @transform_3(%arg0: i32) -> i32 {
    %c0_i32 = arith.constant 0 : i32
    %c0_i32_0 = arith.constant 0 : i32
    return %c0_i32 : i32
  }
  func.func @transform_4(%arg0: i32) -> i32 {
    %c0_i32 = arith.constant 0 : i32
    %c0_i32_0 = arith.constant 0 : i32
    return %c0_i32 : i32
  }
  func.func @transform_5(%arg0: i32) -> i32 {
    %c0_i32 = arith.constant 0 : i32
    %c0_i32_0 = arith.constant 0 : i32
    return %c0_i32 : i32
  }
  func.func @transform_6(%arg0: i32) -> (i32, i32) {
    %c0_i32 = arith.constant 0 : i32
    %c0_i32_0 = arith.constant 0 : i32
    %c0_i32_1 = arith.constant 0 : i32
    return %c0_i32, %c0_i32_0 : i32, i32
  }
  func.func @transform_7(%arg0: i32) -> i32 {
    %c0_i32 = arith.constant 0 : i32
    %c0_i32_0 = arith.constant 0 : i32
    return %c0_i32 : i32
  }
  func.func @transform_8(%arg0: i32) -> (i32, i32) {
    %c0_i32 = arith.constant 0 : i32
    %c0_i32_0 = arith.constant 0 : i32
    %c0_i32_1 = arith.constant 0 : i32
    return %c0_i32, %c0_i32_0 : i32, i32
  }
  func.func @transform_9(%arg0: i32) -> i32 {
    %c0_i32 = arith.constant 0 : i32
    %c0_i32_0 = arith.constant 0 : i32
    return %c0_i32 : i32
  }
  func.func @transform_10(%arg0: i32) -> i32 {
    %c0_i32 = arith.constant 0 : i32
    %c0_i32_0 = arith.constant 0 : i32
    return %c0_i32 : i32
  }
  func.func @transform_11(%arg0: i32) -> i32 {
    %c0_i32 = arith.constant 0 : i32
    %c0_i32_0 = arith.constant 0 : i32
    return %c0_i32 : i32
  }
  func.func @transform_12(%arg0: i32) -> (i32, i32, i32) {
    %c0_i32 = arith.constant 0 : i32
    %c0_i32_0 = arith.constant 0 : i32
    %c0_i32_1 = arith.constant 0 : i32
    return %arg0, %c0_i32, %c0_i32_0 : i32, i32, i32
  }
}

</mosaic_0001>

<sc_bundles>
// kernel: kernel.6.cloned.1.call-start
scs
__scs_entry_jumppad:
0x0: {  	(pc) =	sbr.rel $0x88, $3  }
0x1: {  	(tag) =	ssettag $0x0;
	lr =	simm.s32 $0x1  }
0x2: {  	[smem:$0x3F87] =	sst lr;
	_ =	strace $0xD0000000  }
0x3: {  	_ = 	snop  }
0x4: {  	_ = 	snop  }
0x5: {  	_ = 	snop  }
0x6: {  	_ = 	snop  }
0x7: {  	_ = 	snop  }
__scs_overlays_trampoline_lowered:
0x8: {  	[smem:$0x3F96] =	sst s0  }
0x9: {  	[smem:$0x3F97] =	sst s1  }
0xa: {  	[smem:$0x3F98] =	sst s2  }
0xb: {  	[smem:$0x3F99] =	sst s3  }
0xc: {  	[smem:$0x3F9A] =	sst s4  }
0xd: {  	[smem:$0x3F9B] =	sst s5  }
0xe: {  	[smem:$0x3F9C] =	sst s6  }
0xf: {  	[smem:$0x3F9D] =	sst s7  }
0x10: {  	[smem:$0x3F9E] =	sst s8  }
0x11: {  	[smem:$0x3F9F] =	sst s9;
	s0 =	simm.s32 @!p0 $0x0  }
0x12: {  	s1 =	sld [smem:$0x3F85];
	s0 =	simm.s32 @p0 $0x1  }
0x13: {  	[smem:$0x3FA0] =	sst s0;
	s0 =	simm.s32 @!p1 $0x0  }
0x14: {  	s2 =	sld [smem:$0x3F84];
	s0 =	simm.s32 @p1 $0x1  }
0x15: {  	[smem:$0x3FA1] =	sst s0;
	s0 =	simm.s32 @!p2 $0x0  }
0x16: {  	s3 =	sld [smem:$0x3FDB];
	s0 =	simm.s32 @p2 $0x1  }
0x17: {  	s4 =	simm.s32 $0x1BF5;
	[smem:$0x3FA3] =	sst s0  }
0x18: {  	s0 =	sld [smem:$0x3F86];
	_ =	swait.ge [sflag:s4], $0x0  }
0x19: {  	s7 =	sld [smem:$0x3F87]  }
0x1a: {  	s8 =	sadd.s32 $0xFFFFE003, lr  }
0x1b: {  	s9 =	sadd.s32 $0xFFFFFEF7, lr;
	s5 =	simm.s32 $0xFFFFFFFF;
	p2 =	slt.u32 s8, $0xFFFFF086  }
0x1c: {  	p1 =	slt.u32 s9, $0xF7A;
	s5 =	simm.s32 @!p2 $0x0  }
0x1d: {  	s5 =	simm.s32 @p1 $0x1;
	p0 =	seq.s32 s7, s2  }
0x1e: {  	s7 =	smul.u32 @!p0 $0xF7A, s2;
	p2 =	seq.s32 @!p0 s5, $0x0  }
0x1f: {  	s9 =	smul.u32 $0xF7A, s1;
	s8 =	simm.s32 @!p0 $0x1BF5;
	p2 =	por !p2, p0  }
0x20: {  	[sflag:s8] =	ssyncset.s32 @!p0 $0xFFFFF086;
	s6 =	sadd.s32 @!p0 s3, s7;
	s7 =	simm.s32 @!p0 $0x108  }
0x21: {  	s3 =	sadd.s32 s3, s9;
	s6 =	sadd.s32 @!p0 $0x88, s6;
	s7 =	simm.s32 @p2 $0x1082  }
0x22: {  	[simem:s7], [sflag:s8] =	dma.local @!p0 [hbm:s6], $0xF7A  }
0x23: {  	s9 =	sor.u32 $0xD0000000, s2;
	s6 =	simm.s32 $0x108;
	_ =	swait.ge @!p0 [sflag:s8], $0x0  }
0x24: {  	s3 =	sadd.s32 $0x88, s3;
	s6 =	simm.s32 @!p1 $0x1082;
	[sflag:s4] =	ssyncset.s32 $0xFFFFF086  }
0x25: {  	[simem:s6], [sflag:s4] =	dma.local [hbm:s3], $0xF7A  }
0x26: {  	[smem:$0x3F87] =	sst s1;
	(tag) =	ssettag s2;
	_ =	strace s9  }
0x27: {  	s1 =	sld [smem:$0x3F97]  }
0x28: {  	s2 =	sld [smem:$0x3F98]  }
0x29: {  	s4 =	sld [smem:$0x3F9A]  }
0x2a: {  	p0 =	seq.s32 s5, $0x0;
	s5 =	sld [smem:$0x3F9B]  }
0x2b: {  	s6 =	sld [smem:$0x3F9C]  }
0x2c: {  	s7 =	sld [smem:$0x3F9D]  }
0x2d: {  	s3 =	simm.s32 $0x108;
	s8 =	sld [smem:$0x3F9E]  }
0x2e: {  	s3 =	simm.s32 @!p0 $0x1082;
	s9 =	sld [smem:$0x3F9F]  }
0x2f: {  	lr =	sadd.s32 s0, s3;
	s0 =	sld [smem:$0x3F96]  }
0x30: {  	s3 =	sld [smem:$0x3F99]  }
0x31: {  	[smem:$0x3FA2] =	sst s10  }
0x32: {  	s10 =	sld [smem:$0x3FA0];
	_ =	sdelay $0x3  }
0x33: {  	p0 =	seq.s32 s10, $0x1;
	s10 =	sld [smem:$0x3FA2];
	_ =	sdelay $0x3  }
0x34: {  	[smem:$0x3FA2] =	sst s10  }
0x35: {  	s10 =	sld [smem:$0x3FA1];
	_ =	sdelay $0x3  }
0x36: {  	p1 =	seq.s32 s10, $0x1;
	s10 =	sld [smem:$0x3FA2];
	_ =	sdelay $0x3  }
0x37: {  	[smem:$0x3FA2] =	sst s10  }
0x38: {  	s10 =	sld [smem:$0x3FA3]  }
0x39: {  	_ = 	snop;
	(pc) =	sbr.ind lr, $3  }
0x3a: {  	_ = 	snop  }
0x3b: {  	_ = 	snop  }
0x3c: {  	p2 =	seq.s32 s10, $0x1;
	s10 =	sld [smem:$0x3FA2]  }
0x3d: {  	_ =	shalt  }
0x3e: {  	_ =	shalt  }
0x3f: {  	_ =	shalt  }
0x40: {  	_ =	shalt  }
0x41: {  	_ =	shalt  }
0x42: {  	_ =	shalt  }
0x43: {  	_ =	shalt  }
0x44: {  	_ =	shalt  }
0x45: {  	_ =	shalt  }
0x46: {  	_ =	shalt  }
0x47: {  	_ =	shalt  }
0x48: {  	_ =	shalt  }
0x49: {  	_ =	shalt  }
0x4a: {  	_ =	shalt  }
0x4b: {  	_ =	shalt  }
0x4c: {  	_ =	shalt  }
0x4d: {  	_ =	shalt  }
0x4e: {  	_ =	shalt  }
0x4f: {  	_ =	shalt  }
0x50: {  	_ =	shalt  }
0x51: {  	_ =	shalt  }
0x52: {  	_ =	shalt  }
0x53: {  	_ =	shalt  }
0x54: {  	_ =	shalt  }
0x55: {  	_ =	shalt  }
0x56: {  	_ =	shalt  }
0x57: {  	_ =	shalt  }
0x58: {  	_ =	shalt  }
0x59: {  	_ =	shalt  }
0x5a: {  	_ =	shalt  }
0x5b: {  	_ =	shalt  }
0x5c: {  	_ =	shalt  }
0x5d: {  	_ =	shalt  }
0x5e: {  	_ =	shalt  }
0x5f: {  	_ =	shalt  }
0x60: {  	_ =	shalt  }
0x61: {  	_ =	shalt  }
0x62: {  	_ =	shalt  }
0x63: {  	_ =	shalt  }
0x64: {  	_ =	shalt  }
0x65: {  	_ =	shalt  }
0x66: {  	_ =	shalt  }
0x67: {  	_ =	shalt  }
0x68: {  	_ =	shalt  }
0x69: {  	_ =	shalt  }
0x6a: {  	_ =	shalt  }
0x6b: {  	_ =	shalt  }
0x6c: {  	_ =	shalt  }
0x6d: {  	_ =	shalt  }
0x6e: {  	_ =	shalt  }
0x6f: {  	_ =	shalt  }
0x70: {  	_ =	shalt  }
0x71: {  	_ =	shalt  }
0x72: {  	_ =	shalt  }
0x73: {  	_ =	shalt  }
0x74: {  	_ =	shalt  }
0x75: {  	_ =	shalt  }
0x76: {  	_ =	shalt  }
0x77: {  	_ =	shalt  }
0x78: {  	_ =	shalt  }
0x79: {  	_ =	shalt  }
0x7a: {  	_ =	shalt  }
0x7b: {  	_ =	shalt  }
0x7c: {  	_ =	shalt  }
0x7d: {  	_ =	shalt  }
0x7e: {  	_ =	shalt  }
0x7f: {  	_ =	shalt  }
0x80: {  	_ =	shalt  }
0x81: {  	_ =	shalt  }
0x82: {  	_ =	shalt  }
0x83: {  	_ =	shalt  }
0x84: {  	_ =	shalt  }
0x85: {  	_ =	shalt  }
0x86: {  	_ =	shalt  }
0x87: {  	_ =	shalt  }
.Lfunc_end0:
.L_simem_size_0:
called_computation_lowered:
.L_overlay_start_0:
0x88: {  	s2 =	sld [smem:$0x3FD9]  }
0x89: {  	s3 =	sld [smem:$0x3FFE];
	_ =	sdelay $0x1  }
0x8a: {  	s1 =	srdreg.scid  }
0x8b: {  	s0 =	sand.u32 $0x1, s1  }
0x8c: {  	s17 =	sshll.u32 s0, $0xA;
	s2 =	sadd.s32 s3, s2  }
0x8d: {  	s2 =	sadd.s32 s2, s17  }
0x8e: {  	[smem:$0x3FAE] =	sst s2  }
0x8f: {  	_ = 	snop  }
0x90: {  	s2 =	sld [smem:$0x3FD0];
	(tm) =	ssettm $0x1  }
0x91: {  	s18 =	sld [smem:$0x3FFB];
	_ =	sdelay $0x3  }
0x92: {  	_ =	strace s18  }
0x93: {  	s3 =	sld [smem:$0x3FFC];
	_ =	sdelay $0x3  }
0x94: {  	_ =	strace s3  }
0x95: {  	s3 =	sld [smem:$0x3FFD];
	_ =	sdelay $0x3  }
0x96: {  	_ =	strace s3  }
0x97: {  	_ =	strace $0x8FFFFFFF  }
0x98: {  	s19 =	sld [smem:$0x3FDB];
	_ =	sdelay $0x1  }
0x99: {  	s4 =	simm.s32 $_scs_section_size  }
0x9a: {  	s5 =	simm.s32 $_size__tile_overlayer_lowered;
	s6 =	simm.s32 $_tile_overlayer_lowered  }
0x9b: {  	s22 =	simm.s32 $0x1BFF;
	s21 =	sshll.u32 s6, $0x1;
	s3 =	sadd.s32 s4, s19  }
0x9c: {  	s7 =	simm.s32 $0x0;
	s20 =	sshll.u32 s5, $0x1;
	s5 =	sadd.s32 s21, s3  }
0x9d: {  	[timem:s7], [sflag:s22] =	dma.local [hbm:s5], s20  }
0x9e: {  	_ =	swait.ge [sflag:s22], s20  }
0x9f: {  	s4 =	ssub.s32 $0x0, s20;
	[sflag:s22] =	ssyncset.done $0x0  }
0xa0: {  	[sflag:s22] =	ssyncadd.s32 s4;
	_ =	sdelay $0x1  }
0xa1: {  	s23 =	simm.s32 $0x1B8B  }
0xa2: {  	_ =	swait.ge [sflag:s23], $0x1  }
0xa3: {  	[sflag:s23] =	ssyncset.done $0x0  }
0xa4: {  	s25 =	simm.s32 $0x1B8E;
	s24 =	sld [smem:$0x3FFE];
	[sflag:s23] =	ssyncadd.s32 $0xFFFFFFFF  }
0xa5: {  	s26 =	simm.s32 $execute0_lowered;
	[smem:$0x3FD2] =	sst s25  }
0xa6: {  	s5 =	sshll.u32 s26, $0x1;
	_ =	strace $0x80000046;
	[dreg:$0x1] =	wrdreg $0xFFFFFFFF  }
0xa7: {  	s28 =	simm.s32 $_size_execute0_lowered;
	s3 =	sadd.s32 s3, s5;
	[dreg:$0x0] =	wrdreg $0x0  }
0xa8: {  	s5 =	sshll.u32 s28, $0x1;
	[dreg:$0x2] =	wrdreg s3  }
0xa9: {  	[dreg:$0x3] =	wrdreg s5  }
0xaa: {  	[dreg:$0x4] =	wrdreg $0xC0  }
0xab: {  	_ =	task [dreg:s7], $0x5FFFF  }
0xac: {  	[dreg:$0x1] =	wrdreg $0xFFFFFFFF  }
0xad: {  	[dreg:$0x0] =	wrdreg $0x60  }
0xae: {  	[dreg:$0x2] =	wrdreg s24  }
0xaf: {  	[dreg:$0x3] =	wrdreg s2  }
0xb0: {  	[dreg:$0x4] =	wrdreg $0x9  }
0xb1: {  	_ =	task.clear_ibuf [dreg:s7], $0x5FFFF;
	_ =	strace $0x90000046  }
0xb2: {  	s29 =	simm.s32 $0x9;
	_ =	strace $0x80000048  }
0xb3: {  	_ =	swait.ge [sflag:s29], $0x1  }
0xb4: {  	[sflag:s29] =	ssyncadd.s32 $0xFFFFFFFF  }
0xb5: {  	_ =	strace $0x90000048  }
0xb6: {  	_ =	sfence  }
0xb7: {  	s30 =	sld [smem:$0x0];
	_ =	sdelay $0x2  }
0xb8: {  	s31 =	sshll.u32 s1, $0xD;
	s1 =	sshrl.u32 s1, $0x2  }
0xb9: {  	s3 =	sand.u32 $0x4000, s31;
	s1 =	sadd.s32 s1, s30  }
0xba: {  	s0 =	sor.u32 s3, s0;
	s1 =	sshll.u32 s1, $0x11  }
0xbb: {  	s0 =	sor.u32 s1, s0  }
0xbc: {  	s0 =	sadd.s32 $0x8F2B, s0  }
0xbd: {  	[sflag:s0] =	ssyncadd.remote.s32 $0x1  }
0xbe: {  	_ =	sfence.sel $0xFFFF  }
0xbf: {  	[dreg:$0x0] =	wrdreg $0xFFFFFFFF;
	(pc) =	sbr.abs _section_cstart, $3  }
0xc0: {  	[dreg:$0x1] =	wrdreg $0xFFFFFFFF  }
0xc1: {  	_ =	task.clear_ibuf [dreg:s7], $0x2FFFF;
	_ =	strace $0x9FFFFFFF  }
0xc2: {  	(tm) =	ssettm $0x7FFFFFFF  }
0xc3: {  	_ =	shalt  }
tec
execute0_lowered:
.L_overlay_start_1:
0x0: {  	(tag) =	ssettag $0x1  }
0x1: {  	s3 =	rddreg [dreg:$0x0]  }
0x2: {  	s6 =	rddreg [dreg:$0x1]  }
0x3: {  	s0 =	rddreg [dreg:$0x2];
	s2 =	simm.s32 $0x0;
	s4 =	srdreg.scid  }
0x4: {  	s1 =	stileid.u32;
	s11 =	simm.s32 $0xA580;
	s12 =	simm.s32 $0x0  }
0x5: {  	[smem:$0x7FF] =	sst s2;
	s4 =	sand.u32 $0x1, s4;
	s5 =	sshll.u32 s1, $0x1  }
0x6: {  	_ =	strace $0x80000047;
	s5 =	sor.u32 s4, s5;
	s4 =	ssub.s32 $0x2, s4  }
0x7: {  	s7 =	sshll.u32 s5, $0xC;
	s8 =	smul.u32 $0x258, s5;
	s9 =	sshrl.u32 s4, $0x1  }
0x8: {  	s10 =	smul.u32 $0x4B0, s5;
	s7 =	sadd.s32 s7, s3;
	s31 =	ssub.s32 s4, s9  }
0x9: {  	s9 =	simm.s32 $0x8000;
	s30 =	sadd.s32 s8, s3;
	s3 =	sadd.s32 $0xD200, s7  }
0xa: {  	v1 =	vimm.s32 $0x0;
	vm0 =	vcmask $0x300;
	v0 =	vlaneseq.u32;
	s6 =	sadd.s32 s6, s10;
	s7 =	smax.u32 s31, $0x1;
	s8 =	simm.s32 $0x1  }
0xb: {  	v1 =	vsel vm0, $0x3, v1;
	v2 =	vor.u32 $0x10, v0;
	s10 =	simm.s32 $0x92C0;
	s4 =	sadd.s32 $0x8600, s30;
	s5 =	sadd.s32 $0x3A00, s30  }
.LBB2_1:
0xc: {  	[tilespmem:s2], [sflag:$0x1] =	stream.linear.gather [hbm4b:s3+s2], $0x8000, $0x38;
	[tilespmem:$0xCB00] =	vst v63  }
0xd: {  	s13 =	simm.s32 $0xC;
	_ =	swait.ge [sflag:s8], $0x8000  }
0xe: {  	s14 =	simm.s32 $0xE;
	s24 =	simm.s32 $0x0;
	v3 =	vmov s13;
	[sflag:s8] =	ssyncset.done $0x0  }
0xf: {  	v4 =	vmov s14;
	v5 =	vmov s24;
	v3 =	vshrl.u32 v3, $0x3;
	[sflag:s8] =	ssyncadd.s32 $0xFFFF8000  }
0x10: {  	v4 =	vshrl.u32 v4, $0x3;
	v5 =	vshrl.u32 v5, $0x3;
	v3 =	vshll.u32 v3, v1;
	[tilespmem:s9], [sflag:$0x1] =	stream.linear.gather [hbm4b:s4+s2], $0x12C0, $0x38;
	[tilespmem:$0xCB00] =	vst v63  }
0x11: {  	v4 =	vshll.u32 v4, v1;
	v5 =	vshll.u32 v5, v1;
	v3 =	vadd.s32 $0x4, v3;
	_ =	swait.ge [sflag:s8], $0x12C0  }
0x12: {  	v9 =	vbroadcast v3, $0x0;
	v3 =	vadd.s32 $0x6, v4;
	v4 =	vadd.s32 $0x1, v5;
	[sflag:s8] =	ssyncset.done $0x0  }
0x13: {  	s25 =	simm.s32 $0x9;
	s26 =	simm.s32 $0xA;
	v8 =	vadd.s32 $0x3, v5;
	v13 =	vbroadcast v4, $0x0;
	[sflag:s8] =	ssyncadd.s32 $0xFFFFED40  }
0x14: {  	v6 =	vmov s25;
	v17 =	vbroadcast v8, $0x0;
	[tilespmem:s10], [sflag:$0x1] =	stream.linear.gather [hbm4b:s5+s2], $0x12C0, $0x38;
	[tilespmem:$0xCB00] =	vst v63  }
0x15: {  	s30 =	simm.s32 $0x8;
	v7 =	vmov s26;
	v19 =	vbroadcast v5, $0x0;
	v10 =	vadd.s32 $0x6, v5;
	_ =	swait.ge [sflag:s8], $0x12C0  }
0x16: {  	v18 =	vbroadcast v10, $0x0;
	v10 =	vmov s30;
	v4 =	vadd.s32 $0x2, v5;
	[sflag:s8] =	ssyncset.done $0x0  }
0x17: {  	v3 =	vbroadcast v3, $0x0;
	v14 =	vbroadcast v4, $0x0;
	v4 =	vshrl.u32 v6, $0x3;
	[sflag:s8] =	ssyncadd.s32 $0xFFFFED40  }
0x18: {  	v6 =	vshrl.u32 v7, $0x3;
	v7 =	vadd.s32 $0x4, v5;
	v4 =	vshll.u32 v4, v1;
	v8 =	vld.idx.msk [tilespmem:v9+s9+$0x0], $0xffff  }
0x19: {  	v6 =	vshll.u32 v6, v1;
	v20 =	vbroadcast v7, $0x0;
	v7 =	vadd.s32 $0x5, v5;
	v11 =	vld.idx.msk [tilespmem:v13+s9+$0x0], $0xffff  }
0x1a: {  	s28 =	simm.s32 $0xD;
	v5 =	vadd.s32 $0x7, v5;
	v4 =	vadd.s32 $0x1, v4;
	v16 =	vbroadcast v7, $0x0;
	v22 =	vld.idx.msk [tilespmem:v17+s9+$0x0], $0xffff  }
0x1b: {  	s29 =	simm.s32 $0xB;
	v7 =	vmov s28;
	v6 =	vadd.s32 $0x2, v6;
	v12 =	vbroadcast v5, $0x0;
	v23 =	vld.idx.msk [tilespmem:v19+s9+$0x0], $0xffff  }
0x1c: {  	v7 =	vshrl.u32 v7, $0x3;
	v5 =	vbroadcast v6, $0x0;
	v6 =	vmov s29;
	v31 =	vld.idx.msk [tilespmem:v18+s9+$0x0], $0xffff  }
0x1d: {  	v15 =	vshrl.u32 v6, $0x3;
	v6 =	vbroadcast v4, $0x0;
	v4 =	vshrl.u32 v10, $0x3;
	v21 =	vld.idx.msk [tilespmem:v14+s9+$0x0], $0xffff  }
0x1e: {  	v7 =	vshll.u32 v7, v1;
	v27 =	vld.idx.msk [tilespmem:v3+s9+$0x0], $0xffff;
	v10 =	vshll.u32 v15, v1;
	v4 =	vshll.u32 v4, v1  }
0x1f: {  	v7 =	vadd.s32 $0x5, v7;
	v10 =	vadd.s32 $0x3, v10;
	v4 =	vbroadcast v4, $0x0;
	v26 =	vld.idx.msk [tilespmem:v20+s9+$0x0], $0xffff  }
0x20: {  	v25 =	vld.idx.msk [tilespmem:v19+s10+$0x0], $0xffff;
	v15 =	vbroadcast v10, $0x0;
	v24 =	vshll.u32 v8, $0x5;
	v28 =	vshll.u32 v11, $0x5  }
0x21: {  	v29 =	vld.idx.msk [tilespmem:v16+s9+$0x0], $0xffff;
	v22 =	vshll.u32 v22, $0x5;
	v38 =	vshll.u32 v23, $0x5;
	v34 =	vshll.u32 v31, $0x5  }
0x22: {  	s31 =	simm.s32 $0xF;
	v8 =	vor.u32 v0, v24;
	v10 =	vor.u32 v2, v24;
	v35 =	vshll.u32 v21, $0x5;
	v21 =	vld.idx.msk [tilespmem:v12+s9+$0x0], $0xffff  }
0x23: {  	v17 =	vld.idx.msk [tilespmem:v17+s10+$0x0], $0xffff;
	v24 =	vmov s31;
	v39 =	vor.u32 v0, v28;
	v23 =	vor.u32 v0, v22  }
0x24: {  	v9 =	vld.idx.msk [tilespmem:v9+s10+$0x0], $0xffff;
	v33 =	vor.u32 v0, v38;
	v30 =	vshrl.u32 v24, $0x3;
	v37 =	vshll.u32 v26, $0x5  }
0x25: {  	v11 =	vld.idx.msk [tilespmem:v5+s10+$0x0], $0xffff;
	v24 =	vor.u32 v2, v22;
	v19 =	vshll.u32 v30, v1;
	v36 =	vor.u32 v0, v37  }
0x26: {  	v26 =	vld.idx.msk [tilespmem:v13+s10+$0x0], $0xffff;
	v22 =	vshll.u32 v29, $0x5;
	v30 =	vor.u32 v2, v35;
	v40 =	vadd.s32 $0x7, v19  }
0x27: {  	v32 =	vor.u32 v0, v22;
	v29 =	vor.u32 v2, v22;
	v19 =	vld.idx.msk [tilespmem:v20+s10+$0x0], $0xffff;
	v31 =	vshll.u32 v21, $0x5  }
0x28: {  	s17 =	simm.s32 $0x1F;
	s13 =	simm.s32 $0xA590;
	s14 =	simm.s32 $0xA5B0;
	v13 =	vbroadcast v40, $0x0;
	v22 =	vld.idx.msk [tilespmem:v39+s2+$0x0], $0xffff;
	v21 =	vor.u32 v0, v34;
	v20 =	vor.u32 v0, v31  }
.LBB2_2:
0x29: {  	s18 =	sadd.s32 $0xFFFFFFFA, s17  }
0x2a: {  	s19 =	sadd.s32 $0xFFFFFFFB, s17;
	v39 =	vld.idx.msk [tilespmem:v23+s2+$0x0], $0xffff;
	v34 =	vor.u32 v2, v34;
	v31 =	vor.u32 v2, v31;
	s16 =	smov.u32 s17;
	s15 =	sadd.s32 $0x10, s17  }
0x2b: {  	p0 =	sne.s32 s17, $0x12BF;
	v23 =	vmov s18;
	v40 =	vmov s19;
	s18 =	sadd.s32 $0xFFFFFFFE, s16;
	v41 =	vld.idx.msk [tilespmem:v36+s2+$0x0], $0xffff  }
0x2c: {  	v23 =	vshrl.u32 v23, $0x3;
	v36 =	vshrl.u32 v40, $0x3  }
0x2d: {  	v40 =	vshll.u32 v23, v1;
	v36 =	vshll.u32 v36, v1;
	v23 =	vld.idx.msk [tilespmem:v15+s10+$0x0], $0xffff  }
0x2e: {  	v40 =	vadd.s32 $0x1, v40;
	v42 =	vadd.s32 $0x2, v36;
	v43 =	vld.idx.msk [tilespmem:v13+s9+$0x0], $0xffff  }
0x2f: {  	v27 =	vshll.u32 v27, $0x5;
	v44 =	vmov s18;
	v45 =	vmul.f32 v22, v26;
	v22 =	vld.idx.msk [tilespmem:v32+s2+$0x0], $0xffff  }
0x30: {  	v36 =	vor.u32 v2, v27;
	v39 =	vmul.f32 v39, v17;
	v32 =	vld.idx.msk [tilespmem:v16+s10+$0x0], $0xffff;
	v16 =	vor.u32 v0, v27  }
0x31: {  	v27 =	vshrl.u32 v44, $0x3;
	v41 =	vmul.f32 v41, v19;
	v44 =	vld.idx.msk [tilespmem:v4+s9+$0x0], $0xffff  }
0x32: {  	v38 =	vor.u32 v2, v38;
	v27 =	vshll.u32 v27, v1;
	v46 =	vld.idx.msk [tilespmem:v14+s10+$0x0], $0xffff  }
0x33: {  	v35 =	vor.u32 v0, v35;
	v14 =	vadd.s32 $0x5, v27;
	v21 =	vld.idx.msk [tilespmem:v21+s2+$0x0], $0xffff  }
0x34: {  	v47 =	vor.u32 v2, v28;
	v37 =	vor.u32 v2, v37;
	s17 =	sadd.s32 $0xFFFFFFFD, s16;
	s18 =	sadd.s32 $0xFFFFFFFF, s16;
	v28 =	vshll.u32 v43, $0x5;
	v18 =	vld.idx.msk [tilespmem:v18+s10+$0x0], $0xffff  }
0x35: {  	v48 =	vmov s18;
	v43 =	vmov s17;
	v27 =	vor.u32 v0, v28;
	v49 =	vld.idx.msk [tilespmem:v16+s2+$0x0], $0xffff  }
0x36: {  	v16 =	vshrl.u32 v43, $0x3;
	v43 =	vshrl.u32 v48, $0x3;
	v48 =	vmul.f32 v22, v32;
	v50 =	vld.idx.msk [tilespmem:v20+s2+$0x0], $0xffff  }
0x37: {  	v40 =	vbroadcast v40, $0x0;
	v28 =	vor.u32 v2, v28;
	v16 =	vshll.u32 v16, v1;
	v22 =	vld.idx.msk [tilespmem:v38+s2+$0x0], $0xffff  }
0x38: {  	s17 =	sadd.s32 $0xFFFFFFF9, s16;
	v38 =	vbroadcast v42, $0x0;
	v16 =	vadd.s32 $0x4, v16;
	v42 =	vshll.u32 v44, $0x5;
	v33 =	vld.idx.msk [tilespmem:v33+s2+$0x0], $0xffff  }
0x39: {  	s18 =	sadd.s32 $0xFFFFFFF1, s16;
	v44 =	vmov s17;
	v20 =	vbroadcast v16, $0x0;
	v51 =	vld.idx.msk [tilespmem:v12+s10+$0x0], $0xffff  }
0x3a: {  	v16 =	vshrl.u32 v44, $0x3;
	v12 =	vmov s18;
	v44 =	vld.idx.msk [tilespmem:v47+s2+$0x0], $0xffff;
	v47 =	vor.u32 v2, v42  }
0x3b: {  	v53 =	vbroadcast v7, $0x0;
	v7 =	vmovc v14;
	v16 =	vshll.u32 v16, v1;
	v12 =	vshrl.u32 v12, $0x3;
	v52 =	vld.idx.msk [tilespmem:v24+s2+$0x0], $0xffff  }
0x3c: {  	v54 =	vbroadcast v16, $0x0;
	v12 =	vshll.u32 v12, v1;
	v14 =	vld.idx.msk [tilespmem:v35+s2+$0x0], $0xffff;
	v35 =	vmul.f32 v21, v18  }
0x3d: {  	v24 =	vbroadcast v12, $0x0;
	v16 =	vadd.s32 $0x1, v12;
	v55 =	vmul.f32 v22, v25;
	v37 =	vld.idx.msk [tilespmem:v37+s2+$0x0], $0xffff  }
0x3e: {  	v56 =	vadd.s32 $0x2, v12;
	v21 =	vbroadcast v16, $0x0;
	v16 =	vshll.u32 v43, v1;
	v43 =	vld.idx.msk [tilespmem:v30+s2+$0x0], $0xffff  }
0x3f: {  	v22 =	vadd.s32 $0x4, v12;
	v25 =	vmul.f32 v33, v25;
	v30 =	vadd.s32 $0x3, v12;
	v29 =	vld.idx.msk [tilespmem:v29+s2+$0x0], $0xffff  }
0x40: {  	v22 =	vbroadcast v22, $0x0;
	v33 =	vadd.s32 $0x5, v12;
	v50 =	vmul.f32 v50, v51;
	v57 =	vld.idx.msk [tilespmem:v6+s9+$0x0], $0xffff  }
0x41: {  	v58 =	vadd.s32 $0x6, v12;
	v12 =	vadd.s32 $0x7, v12;
	v25 =	vadd.f32 $0.0e+00, v25;
	v59 =	vld.idx.msk [tilespmem:v6+s10+$0x0], $0xffff;
	v6 =	vmovc v40  }
0x42: {  	v16 =	vadd.s32 $0x6, v16;
	v12 =	vbroadcast v12, $0x0;
	v26 =	vmul.f32 v44, v26;
	v40 =	vld.idx.msk [tilespmem:v5+s9+$0x0], $0xffff;
	v5 =	vmovc v38  }
0x43: {  	v25 =	vadd.f32 v45, v25;
	v38 =	vmul.f32 v14, v46;
	v44 =	vld.idx.msk [tilespmem:v3+s10+$0x0], $0xffff;
	v3 =	vbroadcast v16, $0x0  }
0x44: {  	v42 =	vor.u32 v0, v42;
	v16 =	vbroadcast v33, $0x0;
	v33 =	vadd.f32 $0.0e+00, v55;
	v15 =	vld.idx.msk [tilespmem:v15+s9+$0x0], $0xffff  }
0x45: {  	v14 =	vbroadcast v56, $0x0;
	v25 =	vadd.f32 v38, v25;
	v38 =	vmul.f32 v43, v46;
	v34 =	vld.idx.msk [tilespmem:v34+s2+$0x0], $0xffff  }
0x46: {  	v17 =	vmul.f32 v52, v17;
	v26 =	vadd.f32 v26, v33;
	v33 =	vshll.u32 v57, $0x5;
	v43 =	vld.idx.msk [tilespmem:v53+s9+$0x0], $0xffff  }
0x47: {  	v19 =	vmul.f32 v37, v19;
	v25 =	vadd.f32 v39, v25;
	v37 =	vor.u32 v0, v33;
	v31 =	vld.idx.msk [tilespmem:v31+s2+$0x0], $0xffff  }
0x48: {  	v33 =	vor.u32 v2, v33;
	v26 =	vadd.f32 v38, v26;
	v39 =	vshll.u32 v40, $0x5;
	v38 =	vld.idx.msk [tilespmem:v4+s10+$0x0], $0xffff;
	v4 =	vmovc v54  }
0x49: {  	v25 =	vadd.f32 v41, v25;
	v40 =	vor.u32 v0, v39;
	v39 =	vor.u32 v2, v39;
	v36 =	vld.idx.msk [tilespmem:v36+s2+$0x0], $0xffff  }
0x4a: {  	v41 =	vmul.f32 v49, v44;
	v17 =	vadd.f32 v17, v26;
	v15 =	vshll.u32 v15, $0x5;
	v26 =	vld.idx.msk [tilespmem:v42+s2+$0x0], $0xffff  }
0x4b: {  	v25 =	vadd.f32 v48, v25;
	v18 =	vmul.f32 v34, v18;
	v42 =	vor.u32 v0, v15;
	v34 =	vld.idx.msk [tilespmem:v47+s2+$0x0], $0xffff  }
0x4c: {  	v15 =	vor.u32 v2, v15;
	v17 =	vadd.f32 v19, v17;
	v19 =	vmul.f32 v29, v32;
	v29 =	vld.idx.msk [tilespmem:v37+s2+$0x0], $0xffff  }
0x4d: {  	v25 =	vadd.f32 v35, v25;
	v31 =	vmul.f32 v31, v51;
	v32 =	vld.idx.msk [tilespmem:v33+s2+$0x0], $0xffff;
	v33 =	vshll.u32 v43, $0x5  }
0x4e: {  	v17 =	vadd.f32 v19, v17;
	v19 =	vld.idx.msk [tilespmem:v40+s2+$0x0], $0xffff;
	v35 =	vor.u32 v0, v33;
	v33 =	vor.u32 v2, v33  }
0x4f: {  	v25 =	vadd.f32 v50, v25;
	v37 =	vld.idx.msk [tilespmem:v39+s2+$0x0], $0xffff  }
0x50: {  	v36 =	vmul.f32 v36, v44;
	v17 =	vadd.f32 v18, v17;
	v18 =	vmul.f32 v26, v38;
	v26 =	vld.idx.msk [tilespmem:v42+s2+$0x0], $0xffff  }
0x51: {  	v34 =	vmul.f32 v34, v38;
	v15 =	vld.idx.msk [tilespmem:v15+s2+$0x0], $0xffff  }
0x52: {  	v17 =	vadd.f32 v31, v17;
	v18 =	vadd.f32 v18, v25;
	v25 =	vmul.f32 v29, v59;
	v29 =	vld.idx.msk [tilespmem:v53+s10+$0x0], $0xffff  }
0x53: {  	v31 =	vmul.f32 v32, v59;
	v10 =	vld.idx.msk [tilespmem:v10+s2+$0x0], $0xffff  }
0x54: {  	s17 =	sadd.s32 $0xFFFFFFFC, s16;
	v17 =	vadd.f32 v34, v17;
	v25 =	vadd.f32 v25, v18;
	v19 =	vmul.f32 v19, v11;
	v8 =	vld.idx.msk [tilespmem:v8+s2+$0x0], $0xffff  }
0x55: {  	v32 =	vmov s17;
	v11 =	vmul.f32 v37, v11;
	v33 =	vld.idx.msk [tilespmem:v33+s2+$0x0], $0xffff  }
0x56: {  	v18 =	vbroadcast v58, $0x0;
	v32 =	vshrl.u32 v32, $0x3;
	v17 =	vadd.f32 v31, v17;
	v31 =	vld.idx.msk [tilespmem:v35+s2+$0x0], $0xffff  }
0x57: {  	v32 =	vshll.u32 v32, v1;
	v26 =	vmul.f32 v26, v23;
	v23 =	vmul.f32 v15, v23  }
0x58: {  	v19 =	vadd.f32 v19, v25;
	v15 =	vadd.s32 $0x3, v32;
	v11 =	vadd.f32 v11, v17;
	v13 =	vld.idx.msk [tilespmem:v13+s10+$0x0], $0xffff  }
0x59: {  	v15 =	vbroadcast v15, $0x0;
	v10 =	vmul.f32 v10, v9;
	v17 =	vld.idx.msk [tilespmem:v27+s2+$0x0], $0xffff  }
0x5a: {  	v19 =	vadd.f32 v26, v19;
	v11 =	vadd.f32 v23, v11;
	v8 =	vmul.f32 v8, v9;
	v9 =	vld.idx.msk [tilespmem:v28+s2+$0x0], $0xffff  }
0x5b: {  	v23 =	vmul.f32 v33, v29  }
0x5c: {  	v8 =	vadd.f32 v8, v19;
	v10 =	vadd.f32 v10, v11;
	v11 =	vmul.f32 v31, v29;
	_ =	sdelay $0x1  }
0x5d: {  	v8 =	vadd.f32 v11, v8;
	v10 =	vadd.f32 v23, v10  }
0x5e: {  	v11 =	vmul.f32 v17, v13  }
0x5f: {  	v8 =	vadd.f32 v41, v8;
	v10 =	vadd.f32 v36, v10;
	v9 =	vmul.f32 v9, v13;
	_ =	sdelay $0x1  }
0x60: {  	v8 =	vadd.f32 v11, v8;
	v9 =	vadd.f32 v9, v10;
	_ =	sdelay $0x1  }
0x61: {  	v13 =	vbroadcast v30, $0x0;
	[tilespmem:s13+$0xFFFFFFF0] =	vst v8  }
0x62: {  	[tilespmem:s13+$0x0] =	vst v9;
	s13 =	smov.u32 s14  }
0x63: {  	v8 =	vld.idx.msk [tilespmem:v20+s9+$0x0], $0xffff  }
0x64: {  	v27 =	vld.idx.msk [tilespmem:v3+s9+$0x0], $0xffff  }
0x65: {  	v9 =	vld.idx.msk [tilespmem:v21+s9+$0x0], $0xffff  }
0x66: {  	v11 =	vld.idx.msk [tilespmem:v14+s9+$0x0], $0xffff  }
0x67: {  	v17 =	vld.idx.msk [tilespmem:v13+s9+$0x0], $0xffff  }
0x68: {  	v19 =	vld.idx.msk [tilespmem:v24+s9+$0x0], $0xffff  }
0x69: {  	v10 =	vshll.u32 v8, $0x5;
	v26 =	vld.idx.msk [tilespmem:v22+s9+$0x0], $0xffff  }
0x6a: {  	v8 =	vor.u32 v0, v10;
	v10 =	vor.u32 v2, v10;
	v29 =	vld.idx.msk [tilespmem:v16+s9+$0x0], $0xffff  }
0x6b: {  	v31 =	vld.idx.msk [tilespmem:v18+s9+$0x0], $0xffff  }
0x6c: {  	v28 =	vshll.u32 v9, $0x5;
	v9 =	vmov s16;
	v35 =	vshll.u32 v11, $0x5;
	v39 =	vld.idx.msk [tilespmem:v12+s9+$0x0], $0xffff  }
0x6d: {  	v40 =	vor.u32 v0, v28;
	v9 =	vshrl.u32 v9, $0x3;
	v17 =	vshll.u32 v17, $0x5;
	v11 =	vld.idx.msk [tilespmem:v5+s10+$0x0], $0xffff  }
0x6e: {  	v38 =	vshll.u32 v19, $0x5;
	v23 =	vor.u32 v0, v17;
	v25 =	vld.idx.msk [tilespmem:v24+s10+$0x0], $0xffff;
	v24 =	vor.u32 v2, v17  }
.Ltmp0:
0x6f: {  	v33 =	vor.u32 v0, v38;
	v37 =	vshll.u32 v26, $0x5;
	v17 =	vld.idx.msk [tilespmem:v13+s10+$0x0], $0xffff;
	v13 =	vshll.u32 v9, v1;
	(pc) =	sbr.rel @p0 .LBB2_2-.Ltmp0, $4  }
0x70: {  	v36 =	vor.u32 v0, v37;
	v19 =	vshll.u32 v29, $0x5;
	v9 =	vld.idx.msk [tilespmem:v20+s10+$0x0], $0xffff;
	v13 =	vadd.s32 $0x7, v13  }
0x71: {  	v30 =	vor.u32 v2, v35;
	v32 =	vor.u32 v0, v19;
	v29 =	vor.u32 v2, v19;
	v26 =	vld.idx.msk [tilespmem:v21+s10+$0x0], $0xffff  }
0x72: {  	v34 =	vshll.u32 v31, $0x5;
	v31 =	vshll.u32 v39, $0x5;
	v13 =	vbroadcast v13, $0x0;
	v19 =	vld.idx.msk [tilespmem:v22+s10+$0x0], $0xffff  }
0x73: {  	s17 =	smov.u32 s15;
	s14 =	sadd.s32 $0x20, s14;
	v21 =	vor.u32 v0, v34;
	v20 =	vor.u32 v0, v31;
	v22 =	vld.idx.msk [tilespmem:v40+s2+$0x0], $0xffff  }
0x74: {  	_ =	sdelay $0x3  }
0x75: {  	v23 =	vld.idx.msk [tilespmem:v23+s2+$0x0], $0xffff  }
0x76: {  	v36 =	vld.idx.msk [tilespmem:v36+s2+$0x0], $0xffff  }
0x77: {  	v39 =	vld.idx.msk [tilespmem:v15+s10+$0x0], $0xffff  }
0x78: {  	v40 =	vld.idx.msk [tilespmem:v13+s9+$0x0], $0xffff  }
0x79: {  	v32 =	vld.idx.msk [tilespmem:v32+s2+$0x0], $0xffff  }
0x7a: {  	v16 =	vld.idx.msk [tilespmem:v16+s10+$0x0], $0xffff  }
0x7b: {  	v42 =	vld.idx.msk [tilespmem:v4+s9+$0x0], $0xffff  }
0x7c: {  	v14 =	vld.idx.msk [tilespmem:v14+s10+$0x0], $0xffff  }
0x7d: {  	v21 =	vld.idx.msk [tilespmem:v21+s2+$0x0], $0xffff  }
0x7e: {  	v18 =	vld.idx.msk [tilespmem:v18+s10+$0x0], $0xffff  }
0x7f: {  	v20 =	vld.idx.msk [tilespmem:v20+s2+$0x0], $0xffff  }
0x80: {  	v38 =	vor.u32 v2, v38;
	v33 =	vld.idx.msk [tilespmem:v33+s2+$0x0], $0xffff  }
0x81: {  	v12 =	vld.idx.msk [tilespmem:v12+s10+$0x0], $0xffff  }
0x82: {  	v28 =	vor.u32 v2, v28;
	v24 =	vld.idx.msk [tilespmem:v24+s2+$0x0], $0xffff  }
0x83: {  	v35 =	vor.u32 v0, v35;
	v30 =	vld.idx.msk [tilespmem:v30+s2+$0x0], $0xffff  }
0x84: {  	v29 =	vld.idx.msk [tilespmem:v29+s2+$0x0], $0xffff  }
0x85: {  	v38 =	vld.idx.msk [tilespmem:v38+s2+$0x0], $0xffff  }
0x86: {  	v45 =	vld.idx.msk [tilespmem:v6+s9+$0x0], $0xffff  }
0x87: {  	v28 =	vld.idx.msk [tilespmem:v28+s2+$0x0], $0xffff  }
0x88: {  	v37 =	vor.u32 v2, v37;
	v35 =	vld.idx.msk [tilespmem:v35+s2+$0x0], $0xffff  }
0x89: {  	v27 =	vshll.u32 v27, $0x5;
	v34 =	vor.u32 v2, v34;
	v6 =	vld.idx.msk [tilespmem:v6+s10+$0x0], $0xffff;
	v33 =	vmul.f32 v33, v25  }
0x8a: {  	v31 =	vor.u32 v2, v31;
	v7 =	vbroadcast v7, $0x0;
	v5 =	vld.idx.msk [tilespmem:v5+s9+$0x0], $0xffff;
	v44 =	vmul.f32 v38, v25  }
0x8b: {  	v3 =	vld.idx.msk [tilespmem:v3+s10+$0x0], $0xffff;
	v22 =	vmul.f32 v22, v26;
	v23 =	vmul.f32 v23, v17;
	v33 =	vadd.f32 $0.0e+00, v33  }
0x8c: {  	v50 =	vld.idx.msk [tilespmem:v15+s9+$0x0], $0xffff;
	v36 =	vmul.f32 v36, v19;
	v46 =	vmul.f32 v28, v26;
	v25 =	vadd.f32 $0.0e+00, v44  }
0x8d: {  	v37 =	vld.idx.msk [tilespmem:v37+s2+$0x0], $0xffff;
	v32 =	vmul.f32 v32, v16;
	v22 =	vadd.f32 v22, v33;
	v48 =	vmul.f32 v35, v14  }
0x8e: {  	v60 =	vld.idx.msk [tilespmem:v4+s10+$0x0], $0xffff;
	v47 =	vshll.u32 v42, $0x5;
	v14 =	vmul.f32 v30, v14;
	v25 =	vadd.f32 v46, v25  }
0x8f: {  	v8 =	vld.idx.msk [tilespmem:v8+s2+$0x0], $0xffff;
	v53 =	vshll.u32 v45, $0x5;
	v49 =	vor.u32 v0, v47;
	v22 =	vadd.f32 v48, v22  }
0x90: {  	v10 =	vld.idx.msk [tilespmem:v10+s2+$0x0], $0xffff;
	v54 =	vmul.f32 v24, v17;
	v51 =	vor.u32 v2, v47;
	v14 =	vadd.f32 v14, v25  }
0x91: {  	v52 =	vld.idx.msk [tilespmem:v34+s2+$0x0], $0xffff;
	v5 =	vshll.u32 v5, $0x5;
	v56 =	vor.u32 v0, v53;
	v22 =	vadd.f32 v23, v22  }
0x92: {  	v57 =	vld.idx.msk [tilespmem:v31+s2+$0x0], $0xffff;
	v58 =	vor.u32 v2, v53;
	v59 =	vmul.f32 v37, v19;
	v14 =	vadd.f32 v54, v14  }
0x93: {  	v15 =	vshll.u32 v50, $0x5;
	v55 =	vld.idx.msk [tilespmem:v7+s9+$0x0], $0xffff;
	v61 =	vor.u32 v0, v5;
	v62 =	vadd.f32 v36, v22  }
0x94: {  	v16 =	vmul.f32 v29, v16;
	v5 =	vor.u32 v2, v5;
	v63 =	vld.idx.msk [tilespmem:v49+s2+$0x0], $0xffff;
	v14 =	vadd.f32 v59, v14  }
0x95: {  	v34 =	vor.u32 v0, v15;
	v35 =	vmul.f32 v21, v18;
	v26 =	vld.idx.msk [tilespmem:v51+s2+$0x0], $0xffff;
	v17 =	vadd.f32 v32, v62  }
0x96: {  	v15 =	vor.u32 v2, v15;
	v18 =	vmul.f32 v52, v18;
	v36 =	vld.idx.msk [tilespmem:v56+s2+$0x0], $0xffff;
	v14 =	vadd.f32 v16, v14  }
0x97: {  	v41 =	vor.u32 v0, v27;
	v37 =	vmul.f32 v20, v12;
	v25 =	vld.idx.msk [tilespmem:v58+s2+$0x0], $0xffff;
	v17 =	vadd.f32 v35, v17  }
0x98: {  	v12 =	vmul.f32 v57, v12;
	v38 =	vld.idx.msk [tilespmem:v61+s2+$0x0], $0xffff;
	v42 =	vshll.u32 v55, $0x5;
	v14 =	vadd.f32 v18, v14  }
0x99: {  	v5 =	vld.idx.msk [tilespmem:v5+s2+$0x0], $0xffff;
	v43 =	vor.u32 v0, v42;
	v44 =	vmul.f32 v63, v60;
	v16 =	vadd.f32 v37, v17  }
0x9a: {  	v45 =	vld.idx.msk [tilespmem:v34+s2+$0x0], $0xffff;
	v20 =	vor.u32 v2, v42;
	v4 =	vmul.f32 v26, v60;
	v12 =	vadd.f32 v12, v14  }
0x9b: {  	v15 =	vld.idx.msk [tilespmem:v15+s2+$0x0], $0xffff;
	v48 =	vshll.u32 v40, $0x5;
	v47 =	vmul.f32 v36, v6;
	v16 =	vadd.f32 v44, v16  }
0x9c: {  	v41 =	vld.idx.msk [tilespmem:v41+s2+$0x0], $0xffff;
	v46 =	vor.u32 v2, v27;
	v6 =	vmul.f32 v25, v6;
	v4 =	vadd.f32 v4, v12  }
0x9d: {  	v7 =	vld.idx.msk [tilespmem:v7+s10+$0x0], $0xffff;
	v49 =	vor.u32 v0, v48;
	v50 =	vmul.f32 v38, v11;
	v16 =	vadd.f32 v47, v16  }
0x9e: {  	v51 =	vor.u32 v2, v48;
	v5 =	vmul.f32 v5, v11;
	v52 =	vld.idx.msk [tilespmem:v43+s2+$0x0], $0xffff;
	v4 =	vadd.f32 v6, v4  }
0x9f: {  	v53 =	vld.idx.msk [tilespmem:v20+s2+$0x0], $0xffff;
	v54 =	vmul.f32 v45, v39;
	v16 =	vadd.f32 v50, v16  }
0xa0: {  	v55 =	vld.idx.msk [tilespmem:v13+s10+$0x0], $0xffff;
	v15 =	vmul.f32 v15, v39;
	v4 =	vadd.f32 v5, v4  }
0xa1: {  	v8 =	vmul.f32 v8, v9;
	v14 =	vld.idx.msk [tilespmem:v46+s2+$0x0], $0xffff;
	v56 =	vadd.f32 v54, v16  }
0xa2: {  	v57 =	vmul.f32 v10, v9;
	v58 =	vld.idx.msk [tilespmem:v49+s2+$0x0], $0xffff;
	v4 =	vadd.f32 v15, v4  }
0xa3: {  	v59 =	vld.idx.msk [tilespmem:v51+s2+$0x0], $0xffff;
	v6 =	vmul.f32 v52, v7;
	v8 =	vadd.f32 v8, v56  }
0xa4: {  	v7 =	vmul.f32 v53, v7;
	v4 =	vadd.f32 v57, v4  }
0xa5: {  	v60 =	vmul.f32 v41, v3;
	v6 =	vadd.f32 v6, v8  }
0xa6: {  	v3 =	vmul.f32 v14, v3;
	v4 =	vadd.f32 v7, v4  }
0xa7: {  	v61 =	vmul.f32 v58, v55;
	v6 =	vadd.f32 v60, v6  }
0xa8: {  	v62 =	vmul.f32 v59, v55;
	v3 =	vadd.f32 v3, v4  }
0xa9: {  	v63 =	vadd.f32 v61, v6  }
0xaa: {  	s12 =	sadd.s32 $0x1, s12;
	v3 =	vadd.f32 v62, v3  }
0xab: {  	p0 =	sne.s32 s12, s7;
	[tilespmem:s13+$0xFFFFFFF0] =	vst v63  }
.Ltmp1:
0xac: {  	[tilespmem:s13+$0x0] =	vst v3;
	(pc) =	sbr.rel @p0 .LBB2_1-.Ltmp1, $4  }
0xad: {  	[hbm4b:s6+s2] =	stream.linear.scatter [tilespmem:s11], [sflag:$0x1], $0x2580, $0x38;
	[tilespmem:$0xCB00] =	vst v63  }
0xae: {  	_ =	swait.ge [sflag:s8], $0x2580  }
0xaf: {  	[sflag:s8] =	ssyncset.done $0x0  }
0xb0: {  	[sflag:s8] =	ssyncadd.s32 $0xFFFFDA80  }
0xb1: {  	_ =	sfence.sel $0x180000  }
0xb2: {  	[bflag:$0x0] =	sbarrier.arrive $0xFFFF  }
0xb3: {  	p0 =	sne.s32 s1, $0x0;
	_ =	strace $0x90000047  }
0xb4: {  	s0 =	sadd.s32 @!p0 $0x100000, s0;
	[bflag:$0x2] =	sbarrier.arrive $0xFFFF  }
0xb5: {  	[sflag:s0] =	ssyncadd.tile.s32 @!p0 $0x1;
	_ =	shalt  }
.Lfunc_end2:
_tile_overlayer_lowered:
.L_overlay_start_2:
0xb6: {  	(tag) =	ssettag $0x2  }
0xb7: {  	s0 =	rddreg [dreg:$0x0];
	s2 =	stileid.u32  }
0xb8: {  	s1 =	rddreg [dreg:$0x1];
	p0 =	sne.s32 s2, $0x0  }
0xb9: {  	s3 =	rddreg [dreg:$0x2];
	[bflag:$0x3] =	sbarrier.arrive $0xFFFF;
	s2 =	simm.s32 @!p0 $0x1C01  }
0xba: {  	[timem:s3], [sflag:s2] =	dma.local @!p0 [hbm:s0], s1  }
0xbb: {  	s0 =	simm.s32 @!p0 $0x1  }
0xbc: {  	_ =	swait.ge @!p0 [sflag:s0], s1  }
0xbd: {  	s1 =	ssub.s32 @!p0 $0x0, s1;
	[sflag:s0] =	ssyncset.done @!p0 $0x0  }
0xbe: {  	[sflag:s0] =	ssyncadd.s32 @!p0 s1  }
0xbf: {  	[bflag:$0x3] =	sbarrier.arrive $0xFFFF  }
0xc0: {  	_ =	shalt  }

</sc_bundles>
